<compile_context>
chip_gen: v7x
topology: tpu7x:2x2x1
jax: 0.10.2.dev20260603
libtpu: 0.0.44.dev20260713+nightly
codegen_flags: <defaults>
</compile_context>

<pallas_src>
import functools
import math

import jax
import jax.numpy as jnp
from jax import lax
from jax.experimental import pallas as pl
from jax.experimental.pallas import tpu as pltpu
from jax.experimental.pallas import tpu_sc as plsc

VOCAB = 100000
D = 1024
SCALE = math.sqrt(D)

NC, NS, L = 2, 16, 16
NW = NC * NS
XROWS, XCOLS = 4, 4096
B = XROWS * XCOLS
B_PER_W = B // NW
W_PER_XROW = XCOLS // B_PER_W
CHUNK = 8
NBUF = 8
DIST = 7
NCHUNK = B_PER_W // CHUNK

@functools.cache
def _build_emb_kernel():
    mesh = plsc.VectorSubcoreMesh(
        core_axis_name="c", subcore_axis_name="s",
        num_cores=NC, num_subcores=NS)
    return pl.kernel(
        _emb_body,
        out_type=jax.ShapeDtypeStruct((B, D), jnp.float32),
        mesh=mesh,
        scratch_types=(
            pltpu.VMEM((B_PER_W,), jnp.int32),
            [pltpu.VMEM((CHUNK, D), jnp.float32) for _ in range(NBUF)],
            [pltpu.SemaphoreType.DMA for _ in range(NBUF)],
            [pltpu.SemaphoreType.DMA for _ in range(NBUF)],
        ),
    )


def _emb_body(x_hbm, table_hbm, out_hbm, idx_v, bufs, gsems, ssems):
    wid = lax.axis_index("s") * NC + lax.axis_index("c")
    base = wid * B_PER_W

    xr = wid // W_PER_XROW
    xc = (wid % W_PER_XROW) * B_PER_W
    pltpu.sync_copy(x_hbm.at[xr, pl.ds(xc, B_PER_W)], idx_v)

    def gather_desc(c, b):
        return pltpu.make_async_copy(
            table_hbm.at[idx_v.at[pl.ds(c * CHUNK, CHUNK)]], bufs[b], gsems[b])

    def store_desc(c, b):
        return pltpu.make_async_copy(
            bufs[b], out_hbm.at[pl.ds(base + c * CHUNK, CHUNK)], ssems[b])

    for c in range(DIST):
        gather_desc(c, c % NBUF).start()

    @pl.loop(0, NCHUNK, step=NBUF)
    def _group(g):
        for b in range(NBUF):
            c = g + b
            gather_desc(c, b).wait()

            buf = bufs[b]

            @plsc.parallel_loop(0, CHUNK * (D // L), unroll=8)
            def _scale(k):
                r = k // (D // L)
                sl = pl.ds((k % (D // L)) * L, L)
                buf[r, sl] = buf[r, sl] * SCALE

            store_desc(c, b).start()

            b2 = (b + DIST) % NBUF

            @pl.when(c + DIST < NCHUNK)
            def _():
                @pl.when(c + DIST - NBUF >= 0)
                def _():
                    store_desc(c + DIST - NBUF, b2).wait()
                gather_desc(c + DIST, b2).start()

    for c in range(NCHUNK - NBUF, NCHUNK):
        store_desc(c, c % NBUF).wait()


def kernel(x, table):
    out = _build_emb_kernel()(x, table)
    return out.reshape(XROWS, XCOLS, D)

# --- scband reference (transcript-rebuilt; emitter-appended) ---
"""Pipeline reference for scband-token-embedding-31971736551667 (READ-ONLY COPY).

The authoritative reference and input builder live on the scoring server;
editing this copy changes nothing except your own understanding.
"""

import jax, jax.numpy as jnp
import numpy as np
import math

VOCAB = 100000
D_MODEL = 1024

def setup_inputs(seed: int = 0) -> dict:
    key = jax.random.key(seed)
    k1, k2 = jax.random.split(key)
    x = jax.random.randint(k1, (4, 4096), 0, VOCAB, dtype=jnp.int64 if jax.config.jax_enable_x64 else jnp.int32)
    table = jax.random.normal(k2, (VOCAB, D_MODEL), dtype=jnp.float32)
    return {"x": x, "table": table}

def reference(x, table):
    # TokenEmbedding.forward: embedding lookup scaled by sqrt(d_model)
    emb = jnp.take(table, x, axis=0)
    return emb * math.sqrt(D_MODEL)

if __name__ == "__main__":
    import jax
    _d = setup_inputs()
    print(jax.jit(kernel)(*tuple(_d.values())))

</pallas_src>

<mosaic_0001>
#map = affine_map<(d0, d1) -> (0, 0)>
module attributes {stable_mosaic.version = 14 : i64} {
  func.func @_emb_body(%arg0: i32, %arg1: i32, %arg2: memref<4x4096xi32, #tpu.memory_space<hbm>>, %arg3: memref<100000x1024xf32, #tpu.memory_space<hbm>>, %arg4: memref<16384x1024xf32, #tpu.memory_space<hbm>>, %arg5: memref<512xi32, #tpu.memory_space<vmem>>, %arg6: memref<8x1024xf32, #tpu.memory_space<vmem>>, %arg7: memref<8x1024xf32, #tpu.memory_space<vmem>>, %arg8: memref<8x1024xf32, #tpu.memory_space<vmem>>, %arg9: memref<8x1024xf32, #tpu.memory_space<vmem>>, %arg10: memref<8x1024xf32, #tpu.memory_space<vmem>>, %arg11: memref<8x1024xf32, #tpu.memory_space<vmem>>, %arg12: memref<8x1024xf32, #tpu.memory_space<vmem>>, %arg13: memref<8x1024xf32, #tpu.memory_space<vmem>>, %arg14: memref<!tpu.dma_semaphore, #tpu.memory_space<semaphore_mem>>, %arg15: memref<!tpu.dma_semaphore, #tpu.memory_space<semaphore_mem>>, %arg16: memref<!tpu.dma_semaphore, #tpu.memory_space<semaphore_mem>>, %arg17: memref<!tpu.dma_semaphore, #tpu.memory_space<semaphore_mem>>, %arg18: memref<!tpu.dma_semaphore, #tpu.memory_space<semaphore_mem>>, %arg19: memref<!tpu.dma_semaphore, #tpu.memory_space<semaphore_mem>>, %arg20: memref<!tpu.dma_semaphore, #tpu.memory_space<semaphore_mem>>, %arg21: memref<!tpu.dma_semaphore, #tpu.memory_space<semaphore_mem>>, %arg22: memref<!tpu.dma_semaphore, #tpu.memory_space<semaphore_mem>>, %arg23: memref<!tpu.dma_semaphore, #tpu.memory_space<semaphore_mem>>, %arg24: memref<!tpu.dma_semaphore, #tpu.memory_space<semaphore_mem>>, %arg25: memref<!tpu.dma_semaphore, #tpu.memory_space<semaphore_mem>>, %arg26: memref<!tpu.dma_semaphore, #tpu.memory_space<semaphore_mem>>, %arg27: memref<!tpu.dma_semaphore, #tpu.memory_space<semaphore_mem>>, %arg28: memref<!tpu.dma_semaphore, #tpu.memory_space<semaphore_mem>>, %arg29: memref<!tpu.dma_semaphore, #tpu.memory_space<semaphore_mem>>) attributes {dimension_semantics = [#tpu.dimension_semantics<core_parallel>, #tpu.dimension_semantics<subcore_parallel>], iteration_bounds = array<i64: 2, 16>, scalar_prefetch = 0 : i64, scratch_operands = 25 : i64, tpu.core_type = #tpu.core_type<sc_vector_subcore>, window_params = [{transform_indices = #map}, {transform_indices = #map}, {transform_indices = #map}]} {
    %mul3A = arith.constant 2 : i32
    %mul3A_0 = arith.muli %arg1, %mul3A : i32
    %add3A = arith.addi %mul3A_0, %arg0 : i32
    %mul3A_1 = arith.constant 512 : i32
    %mul3A_2 = arith.muli %add3A, %mul3A_1 : i32
    %jit3A = arith.constant 8 : i32
    %div3A = arith.divsi %add3A, %jit3A : i32
    %sign3A = arith.constant 0 : i32
    %sign3A_3 = arith.cmpi sgt, %add3A, %sign3A : i32
    %sign3A_4 = arith.extui %sign3A_3 : i1 to i32
    %sign3A_5 = arith.constant 0 : i32
    %sign3A_6 = arith.cmpi slt, %add3A, %sign3A_5 : i32
    %sign3A_7 = arith.extui %sign3A_6 : i1 to i32
    %sign3A_8 = arith.subi %sign3A_4, %sign3A_7 : i32
    %sign3A_9 = arith.constant 0 : i32
    %sign3A_10 = arith.cmpi sgt, %jit3A, %sign3A_9 : i32
    %sign3A_11 = arith.extui %sign3A_10 : i1 to i32
    %sign3A_12 = arith.constant 0 : i32
    %sign3A_13 = arith.cmpi slt, %jit3A, %sign3A_12 : i32
    %sign3A_14 = arith.extui %sign3A_13 : i1 to i32
    %sign3A_15 = arith.subi %sign3A_11, %sign3A_14 : i32
    %ne3A = arith.cmpi ne, %sign3A_8, %sign3A_15 : i32
    %rem3A = arith.remsi %add3A, %jit3A : i32
    %ne3A_16 = arith.constant 0 : i32
    %ne3A_17 = arith.cmpi ne, %rem3A, %ne3A_16 : i32
    %and3A = arith.andi %ne3A, %ne3A_17 : i1
    %sub3A = arith.constant 1 : i32
    %sub3A_18 = arith.subi %div3A, %sub3A : i32
    %select_n3A = arith.select %and3A, %sub3A_18, %div3A : i32
    %jit3A_19 = arith.constant 8 : i32
    %eq3A = arith.constant 0 : i32
    %eq3A_20 = arith.cmpi eq, %jit3A_19, %eq3A : i32
    %jit3A_21 = arith.constant 1 : i32
    %select_n3A_22 = arith.select %eq3A_20, %jit3A_21, %jit3A_19 : i32
    %rem3A_23 = arith.remsi %add3A, %select_n3A_22 : i32
    %ne3A_24 = arith.constant 0 : i32
    %ne3A_25 = arith.cmpi ne, %rem3A_23, %ne3A_24 : i32
    %lt3A = arith.constant 0 : i32
    %lt3A_26 = arith.cmpi slt, %rem3A_23, %lt3A : i32
    %lt3A_27 = arith.constant 0 : i32
    %lt3A_28 = arith.cmpi slt, %select_n3A_22, %lt3A_27 : i32
    %ne3A_29 = arith.xori %lt3A_26, %lt3A_28 : i1
    %and3A_30 = arith.andi %ne3A_29, %ne3A_25 : i1
    %add3A_31 = arith.addi %rem3A_23, %select_n3A_22 : i32
    %select_n3A_32 = arith.select %and3A_30, %add3A_31, %rem3A_23 : i32
    %mul3A_33 = arith.constant 512 : i32
    %mul3A_34 = arith.muli %select_n3A_32, %mul3A_33 : i32
    "tpu.region"() ({
      %run_scoped3A = tpu.sem_alloc : memref<!tpu.dma_semaphore, #tpu.memory_space<semaphore_mem>>
      %dma_start3A_120 = tpu.memref_slice %arg2[%select_n3A, %mul3A_34] : memref<4x4096xi32, #tpu.memory_space<hbm>> -> memref<1x512xi32, #tpu.memory_space<hbm>>
      %dma_start3A_121 = tpu.memref_squeeze %dma_start3A_120 : memref<1x512xi32, #tpu.memory_space<hbm>> -> memref<512xi32, #tpu.memory_space<hbm>>
      %dma_start3A_122 = tpu.memref_slice %arg2[%select_n3A, %mul3A_34] : memref<4x4096xi32, #tpu.memory_space<hbm>> -> memref<1x512xi32, #tpu.memory_space<hbm>>
      %dma_start3A_123 = tpu.memref_squeeze %dma_start3A_122 : memref<1x512xi32, #tpu.memory_space<hbm>> -> memref<512xi32, #tpu.memory_space<hbm>>
      tpu.enqueue_dma source(%dma_start3A_123 : memref<512xi32, #tpu.memory_space<hbm>>) target(%arg5 : memref<512xi32, #tpu.memory_space<vmem>>) target_semaphore(%run_scoped3A : memref<!tpu.dma_semaphore, #tpu.memory_space<semaphore_mem>>)
      %dma_wait3A_124 = tpu.memref_slice %arg2[%select_n3A, %mul3A_34] : memref<4x4096xi32, #tpu.memory_space<hbm>> -> memref<1x512xi32, #tpu.memory_space<hbm>>
      %dma_wait3A_125 = tpu.memref_squeeze %dma_wait3A_124 : memref<1x512xi32, #tpu.memory_space<hbm>> -> memref<512xi32, #tpu.memory_space<hbm>>
      %dma_wait3A_126 = tpu.memref_slice %arg2[%select_n3A, %mul3A_34] : memref<4x4096xi32, #tpu.memory_space<hbm>> -> memref<1x512xi32, #tpu.memory_space<hbm>>
      %dma_wait3A_127 = tpu.memref_squeeze %dma_wait3A_126 : memref<1x512xi32, #tpu.memory_space<hbm>> -> memref<512xi32, #tpu.memory_space<hbm>>
      tpu.wait_dma2 semaphore(%run_scoped3A : memref<!tpu.dma_semaphore, #tpu.memory_space<semaphore_mem>>) src(%dma_wait3A_127 : memref<512xi32, #tpu.memory_space<hbm>>) dst(%arg5 : memref<512xi32, #tpu.memory_space<vmem>>)
      tpu.yield
    }) : () -> ()
    %dma_start3A = arith.constant 0 : i32
    %dma_start3A_35 = tpu.memref_slice %arg5[%dma_start3A] : memref<512xi32, #tpu.memory_space<vmem>> -> memref<8xi32, #tpu.memory_space<vmem>>
    %dma_start3A_36 = arith.constant 0 : i32
    %dma_start3A_37 = arith.constant 0 : i32
    %dma_start3A_38 = tpu.memref_slice %arg3[%dma_start3A_36, %dma_start3A_37] : memref<100000x1024xf32, #tpu.memory_space<hbm>> -> memref<100000x1024xf32, #tpu.memory_space<hbm>>
    tpu.enqueue_indirect_dma source(%dma_start3A_38 : memref<100000x1024xf32, #tpu.memory_space<hbm>>) target(%arg6 : memref<8x1024xf32, #tpu.memory_space<vmem>>) offsets(%dma_start3A_35 : memref<8xi32, #tpu.memory_space<vmem>>) semaphore(%arg14 : memref<!tpu.dma_semaphore, #tpu.memory_space<semaphore_mem>>)
    %dma_start3A_39 = arith.constant 8 : i32
    %dma_start3A_40 = tpu.memref_slice %arg5[%dma_start3A_39] : memref<512xi32, #tpu.memory_space<vmem>> -> memref<8xi32, #tpu.memory_space<vmem>>
    %dma_start3A_41 = arith.constant 0 : i32
    %dma_start3A_42 = arith.constant 0 : i32
    %dma_start3A_43 = tpu.memref_slice %arg3[%dma_start3A_41, %dma_start3A_42] : memref<100000x1024xf32, #tpu.memory_space<hbm>> -> memref<100000x1024xf32, #tpu.memory_space<hbm>>
    tpu.enqueue_indirect_dma source(%dma_start3A_43 : memref<100000x1024xf32, #tpu.memory_space<hbm>>) target(%arg7 : memref<8x1024xf32, #tpu.memory_space<vmem>>) offsets(%dma_start3A_40 : memref<8xi32, #tpu.memory_space<vmem>>) semaphore(%arg15 : memref<!tpu.dma_semaphore, #tpu.memory_space<semaphore_mem>>)
    %dma_start3A_44 = arith.constant 16 : i32
    %dma_start3A_45 = tpu.memref_slice %arg5[%dma_start3A_44] : memref<512xi32, #tpu.memory_space<vmem>> -> memref<8xi32, #tpu.memory_space<vmem>>
    %dma_start3A_46 = arith.constant 0 : i32
    %dma_start3A_47 = arith.constant 0 : i32
    %dma_start3A_48 = tpu.memref_slice %arg3[%dma_start3A_46, %dma_start3A_47] : memref<100000x1024xf32, #tpu.memory_space<hbm>> -> memref<100000x1024xf32, #tpu.memory_space<hbm>>
    tpu.enqueue_indirect_dma source(%dma_start3A_48 : memref<100000x1024xf32, #tpu.memory_space<hbm>>) target(%arg8 : memref<8x1024xf32, #tpu.memory_space<vmem>>) offsets(%dma_start3A_45 : memref<8xi32, #tpu.memory_space<vmem>>) semaphore(%arg16 : memref<!tpu.dma_semaphore, #tpu.memory_space<semaphore_mem>>)
    %dma_start3A_49 = arith.constant 24 : i32
    %dma_start3A_50 = tpu.memref_slice %arg5[%dma_start3A_49] : memref<512xi32, #tpu.memory_space<vmem>> -> memref<8xi32, #tpu.memory_space<vmem>>
    %dma_start3A_51 = arith.constant 0 : i32
    %dma_start3A_52 = arith.constant 0 : i32
    %dma_start3A_53 = tpu.memref_slice %arg3[%dma_start3A_51, %dma_start3A_52] : memref<100000x1024xf32, #tpu.memory_space<hbm>> -> memref<100000x1024xf32, #tpu.memory_space<hbm>>
    tpu.enqueue_indirect_dma source(%dma_start3A_53 : memref<100000x1024xf32, #tpu.memory_space<hbm>>) target(%arg9 : memref<8x1024xf32, #tpu.memory_space<vmem>>) offsets(%dma_start3A_50 : memref<8xi32, #tpu.memory_space<vmem>>) semaphore(%arg17 : memref<!tpu.dma_semaphore, #tpu.memory_space<semaphore_mem>>)
    %dma_start3A_54 = arith.constant 32 : i32
    %dma_start3A_55 = tpu.memref_slice %arg5[%dma_start3A_54] : memref<512xi32, #tpu.memory_space<vmem>> -> memref<8xi32, #tpu.memory_space<vmem>>
    %dma_start3A_56 = arith.constant 0 : i32
    %dma_start3A_57 = arith.constant 0 : i32
    %dma_start3A_58 = tpu.memref_slice %arg3[%dma_start3A_56, %dma_start3A_57] : memref<100000x1024xf32, #tpu.memory_space<hbm>> -> memref<100000x1024xf32, #tpu.memory_space<hbm>>
    tpu.enqueue_indirect_dma source(%dma_start3A_58 : memref<100000x1024xf32, #tpu.memory_space<hbm>>) target(%arg10 : memref<8x1024xf32, #tpu.memory_space<vmem>>) offsets(%dma_start3A_55 : memref<8xi32, #tpu.memory_space<vmem>>) semaphore(%arg18 : memref<!tpu.dma_semaphore, #tpu.memory_space<semaphore_mem>>)
    %dma_start3A_59 = arith.constant 40 : i32
    %dma_start3A_60 = tpu.memref_slice %arg5[%dma_start3A_59] : memref<512xi32, #tpu.memory_space<vmem>> -> memref<8xi32, #tpu.memory_space<vmem>>
    %dma_start3A_61 = arith.constant 0 : i32
    %dma_start3A_62 = arith.constant 0 : i32
    %dma_start3A_63 = tpu.memref_slice %arg3[%dma_start3A_61, %dma_start3A_62] : memref<100000x1024xf32, #tpu.memory_space<hbm>> -> memref<100000x1024xf32, #tpu.memory_space<hbm>>
    tpu.enqueue_indirect_dma source(%dma_start3A_63 : memref<100000x1024xf32, #tpu.memory_space<hbm>>) target(%arg11 : memref<8x1024xf32, #tpu.memory_space<vmem>>) offsets(%dma_start3A_60 : memref<8xi32, #tpu.memory_space<vmem>>) semaphore(%arg19 : memref<!tpu.dma_semaphore, #tpu.memory_space<semaphore_mem>>)
    %dma_start3A_64 = arith.constant 48 : i32
    %dma_start3A_65 = tpu.memref_slice %arg5[%dma_start3A_64] : memref<512xi32, #tpu.memory_space<vmem>> -> memref<8xi32, #tpu.memory_space<vmem>>
    %dma_start3A_66 = arith.constant 0 : i32
    %dma_start3A_67 = arith.constant 0 : i32
    %dma_start3A_68 = tpu.memref_slice %arg3[%dma_start3A_66, %dma_start3A_67] : memref<100000x1024xf32, #tpu.memory_space<hbm>> -> memref<100000x1024xf32, #tpu.memory_space<hbm>>
    tpu.enqueue_indirect_dma source(%dma_start3A_68 : memref<100000x1024xf32, #tpu.memory_space<hbm>>) target(%arg12 : memref<8x1024xf32, #tpu.memory_space<vmem>>) offsets(%dma_start3A_65 : memref<8xi32, #tpu.memory_space<vmem>>) semaphore(%arg20 : memref<!tpu.dma_semaphore, #tpu.memory_space<semaphore_mem>>)
    %scan3A = arith.constant 0 : i32
    %scan3A_69 = arith.constant 8 : i32
    %scan3A_70 = arith.addi %scan3A, %scan3A_69 : i32
    %scan3A_71 = arith.constant 1 : i32
    scf.for %scan3A_120 = %scan3A to %scan3A_70 step %scan3A_71  : i32 {
      %mul3A_121 = arith.constant 8 : i32
      %mul3A_122 = arith.muli %scan3A_120, %mul3A_121 : i32
      %add3A_123 = arith.constant 0 : i32
      %add3A_124 = arith.addi %add3A_123, %mul3A_122 : i32
      %add3A_125 = arith.constant 0 : i32
      %add3A_126 = arith.addi %add3A_124, %add3A_125 : i32
      %mul3A_127 = arith.constant 8 : i32
      %mul3A_128 = arith.muli %add3A_126, %mul3A_127 : i32
      %dma_wait3A_129 = tpu.memref_slice %arg5[%mul3A_128] : memref<512xi32, #tpu.memory_space<vmem>> -> memref<8xi32, #tpu.memory_space<vmem>>
      %dma_wait3A_130 = arith.constant 0 : i32
      %dma_wait3A_131 = arith.constant 0 : i32
      %dma_wait3A_132 = tpu.memref_slice %arg3[%dma_wait3A_130, %dma_wait3A_131] : memref<100000x1024xf32, #tpu.memory_space<hbm>> -> memref<100000x1024xf32, #tpu.memory_space<hbm>>
      tpu.wait_indirect_dma semaphore(%arg14 : memref<!tpu.dma_semaphore, #tpu.memory_space<semaphore_mem>>) src(%dma_wait3A_132 : memref<100000x1024xf32, #tpu.memory_space<hbm>>) dst(%arg6 : memref<8x1024xf32, #tpu.memory_space<vmem>>)
      %parallel_loop3A = arith.constant 0 : i32
      %parallel_loop3A_133 = arith.constant 512 : i32
      %parallel_loop3A_134 = arith.constant 1 : i32
      scf.for %parallel_loop3A_322 = %parallel_loop3A to %parallel_loop3A_133 step %parallel_loop3A_134  : i32 {
        %parallel_loop3A_323 = arith.constant 64 : i32
        %parallel_loop3A_324 = arith.divsi %parallel_loop3A_322, %parallel_loop3A_323 : i32
        %parallel_loop3A_325 = arith.constant 0 : i32
        %parallel_loop3A_326 = arith.cmpi sgt, %parallel_loop3A_322, %parallel_loop3A_325 : i32
        %parallel_loop3A_327 = arith.extui %parallel_loop3A_326 : i1 to i32
        %parallel_loop3A_328 = arith.constant 0 : i32
        %parallel_loop3A_329 = arith.cmpi slt, %parallel_loop3A_322, %parallel_loop3A_328 : i32
        %parallel_loop3A_330 = arith.extui %parallel_loop3A_329 : i1 to i32
        %parallel_loop3A_331 = arith.subi %parallel_loop3A_327, %parallel_loop3A_330 : i32
        %parallel_loop3A_332 = arith.constant 0 : i32
        %parallel_loop3A_333 = arith.cmpi sgt, %parallel_loop3A_323, %parallel_loop3A_332 : i32
        %parallel_loop3A_334 = arith.extui %parallel_loop3A_333 : i1 to i32
        %parallel_loop3A_335 = arith.constant 0 : i32
        %parallel_loop3A_336 = arith.cmpi slt, %parallel_loop3A_323, %parallel_loop3A_335 : i32
        %parallel_loop3A_337 = arith.extui %parallel_loop3A_336 : i1 to i32
        %parallel_loop3A_338 = arith.subi %parallel_loop3A_334, %parallel_loop3A_337 : i32
        %parallel_loop3A_339 = arith.cmpi ne, %parallel_loop3A_331, %parallel_loop3A_338 : i32
        %parallel_loop3A_340 = arith.remsi %parallel_loop3A_322, %parallel_loop3A_323 : i32
        %parallel_loop3A_341 = arith.constant 0 : i32
        %parallel_loop3A_342 = arith.cmpi ne, %parallel_loop3A_340, %parallel_loop3A_341 : i32
        %parallel_loop3A_343 = arith.andi %parallel_loop3A_339, %parallel_loop3A_342 : i1
        %parallel_loop3A_344 = arith.constant 1 : i32
        %parallel_loop3A_345 = arith.subi %parallel_loop3A_324, %parallel_loop3A_344 : i32
        %parallel_loop3A_346 = arith.select %parallel_loop3A_343, %parallel_loop3A_345, %parallel_loop3A_324 : i32
        %parallel_loop3A_347 = arith.constant 64 : i32
        %parallel_loop3A_348 = arith.constant 0 : i32
        %parallel_loop3A_349 = arith.cmpi eq, %parallel_loop3A_347, %parallel_loop3A_348 : i32
        %parallel_loop3A_350 = arith.constant 1 : i32
        %parallel_loop3A_351 = arith.select %parallel_loop3A_349, %parallel_loop3A_350, %parallel_loop3A_347 : i32
        %parallel_loop3A_352 = arith.remsi %parallel_loop3A_322, %parallel_loop3A_351 : i32
        %parallel_loop3A_353 = arith.constant 0 : i32
        %parallel_loop3A_354 = arith.cmpi ne, %parallel_loop3A_352, %parallel_loop3A_353 : i32
        %parallel_loop3A_355 = arith.constant 0 : i32
        %parallel_loop3A_356 = arith.cmpi slt, %parallel_loop3A_352, %parallel_loop3A_355 : i32
        %parallel_loop3A_357 = arith.constant 0 : i32
        %parallel_loop3A_358 = arith.cmpi slt, %parallel_loop3A_351, %parallel_loop3A_357 : i32
        %parallel_loop3A_359 = arith.xori %parallel_loop3A_356, %parallel_loop3A_358 : i1
        %parallel_loop3A_360 = arith.andi %parallel_loop3A_359, %parallel_loop3A_354 : i1
        %parallel_loop3A_361 = arith.addi %parallel_loop3A_352, %parallel_loop3A_351 : i32
        %parallel_loop3A_362 = arith.select %parallel_loop3A_360, %parallel_loop3A_361, %parallel_loop3A_352 : i32
        %parallel_loop3A_363 = arith.constant 16 : i32
        %parallel_loop3A_364 = arith.muli %parallel_loop3A_362, %parallel_loop3A_363 : i32
        %parallel_loop3A_365 = arith.index_cast %parallel_loop3A_346 : i32 to index
        %parallel_loop3A_366 = arith.index_cast %parallel_loop3A_364 : i32 to index
        %parallel_loop3A_367 = tpu.vector_load %arg6[%parallel_loop3A_365, %parallel_loop3A_366] {strides = array<i32>} : memref<8x1024xf32, #tpu.memory_space<vmem>>, vector<1x16xf32>,
        %parallel_loop3A_368 = vector.shape_cast %parallel_loop3A_367 : vector<1x16xf32> to vector<16xf32>
        %parallel_loop3A_369 = arith.constant 3.200000e+01 : f32
        %parallel_loop3A_370 = vector.broadcast %parallel_loop3A_369 : f32 to vector<16xf32>
        %parallel_loop3A_371 = arith.mulf %parallel_loop3A_368, %parallel_loop3A_370 : vector<16xf32>
        %parallel_loop3A_372 = arith.index_cast %parallel_loop3A_346 : i32 to index
        %parallel_loop3A_373 = arith.index_cast %parallel_loop3A_364 : i32 to index
        %parallel_loop3A_374 = tpu.vector_load %arg6[%parallel_loop3A_372, %parallel_loop3A_373] {strides = array<i32>} : memref<8x1024xf32, #tpu.memory_space<vmem>>, vector<1x16xf32>,
        %parallel_loop3A_375 = vector.shape_cast %parallel_loop3A_374 : vector<1x16xf32> to vector<16xf32>
        %parallel_loop3A_376 = vector.shape_cast %parallel_loop3A_371 : vector<16xf32> to vector<1x16xf32>
        tpu.vector_store %arg6[%parallel_loop3A_372, %parallel_loop3A_373], %parallel_loop3A_376 {strides = array<i32>} : memref<8x1024xf32, #tpu.memory_space<vmem>>, vector<1x16xf32>,
      } {sc.loop_unroll_factor = 8 : i64, sc.parallel_access}
      %mul3A_135 = arith.constant 8 : i32
      %mul3A_136 = arith.muli %add3A_126, %mul3A_135 : i32
      %add3A_137 = arith.addi %mul3A_2, %mul3A_136 : i32
      %dma_start3A_138 = arith.constant 0 : i32
      %dma_start3A_139 = tpu.memref_slice %arg4[%add3A_137, %dma_start3A_138] : memref<16384x1024xf32, #tpu.memory_space<hbm>> -> memref<8x1024xf32, #tpu.memory_space<hbm>>
      %dma_start3A_140 = arith.constant 0 : i32
      %dma_start3A_141 = tpu.memref_slice %arg4[%add3A_137, %dma_start3A_140] : memref<16384x1024xf32, #tpu.memory_space<hbm>> -> memref<8x1024xf32, #tpu.memory_space<hbm>>
      tpu.enqueue_dma source(%arg6 : memref<8x1024xf32, #tpu.memory_space<vmem>>) target(%dma_start3A_141 : memref<8x1024xf32, #tpu.memory_space<hbm>>) target_semaphore(%arg22 : memref<!tpu.dma_semaphore, #tpu.memory_space<semaphore_mem>>)
      %add3A_142 = arith.constant 7 : i32
      %add3A_143 = arith.addi %add3A_126, %add3A_142 : i32
      %lt3A_144 = arith.constant 64 : i32
      %lt3A_145 = arith.cmpi slt, %add3A_143, %lt3A_144 : i32
      %convert_element_type3A = arith.extui %lt3A_145 : i1 to i32
      %cond3A = arith.constant 0 : i32
      %cond3A_146 = arith.cmpi ne, %convert_element_type3A, %cond3A : i32
      scf.if %cond3A_146 {
        %add3A_322 = arith.constant 7 : i32
        %add3A_323 = arith.addi %add3A_126, %add3A_322 : i32
        %sub3A_324 = arith.constant 8 : i32
        %sub3A_325 = arith.subi %add3A_323, %sub3A_324 : i32
        %ge3A = arith.constant 0 : i32
        %ge3A_326 = arith.cmpi sge, %sub3A_325, %ge3A : i32
        %convert_element_type3A_327 = arith.extui %ge3A_326 : i1 to i32
        %cond3A_328 = arith.constant 0 : i32
        %cond3A_329 = arith.cmpi ne, %convert_element_type3A_327, %cond3A_328 : i32
        scf.if %cond3A_329 {
          %add3A_338 = arith.constant 7 : i32
          %add3A_339 = arith.addi %add3A_126, %add3A_338 : i32
          %sub3A_340 = arith.constant 8 : i32
          %sub3A_341 = arith.subi %add3A_339, %sub3A_340 : i32
          %mul3A_342 = arith.constant 8 : i32
          %mul3A_343 = arith.muli %sub3A_341, %mul3A_342 : i32
          %add3A_344 = arith.addi %mul3A_2, %mul3A_343 : i32
          %dma_wait3A_345 = arith.constant 0 : i32
          %dma_wait3A_346 = tpu.memref_slice %arg4[%add3A_344, %dma_wait3A_345] : memref<16384x1024xf32, #tpu.memory_space<hbm>> -> memref<8x1024xf32, #tpu.memory_space<hbm>>
          %dma_wait3A_347 = arith.constant 0 : i32
          %dma_wait3A_348 = tpu.memref_slice %arg4[%add3A_344, %dma_wait3A_347] : memref<16384x1024xf32, #tpu.memory_space<hbm>> -> memref<8x1024xf32, #tpu.memory_space<hbm>>
          tpu.wait_dma2 semaphore(%arg29 : memref<!tpu.dma_semaphore, #tpu.memory_space<semaphore_mem>>) src(%arg13 : memref<8x1024xf32, #tpu.memory_space<vmem>>) dst(%dma_wait3A_348 : memref<8x1024xf32, #tpu.memory_space<hbm>>)
        } else {
        }
        %add3A_330 = arith.constant 7 : i32
        %add3A_331 = arith.addi %add3A_126, %add3A_330 : i32
        %mul3A_332 = arith.constant 8 : i32
        %mul3A_333 = arith.muli %add3A_331, %mul3A_332 : i32
        %dma_start3A_334 = tpu.memref_slice %arg5[%mul3A_333] : memref<512xi32, #tpu.memory_space<vmem>> -> memref<8xi32, #tpu.memory_space<vmem>>
        %dma_start3A_335 = arith.constant 0 : i32
        %dma_start3A_336 = arith.constant 0 : i32
        %dma_start3A_337 = tpu.memref_slice %arg3[%dma_start3A_335, %dma_start3A_336] : memref<100000x1024xf32, #tpu.memory_space<hbm>> -> memref<100000x1024xf32, #tpu.memory_space<hbm>>
        tpu.enqueue_indirect_dma source(%dma_start3A_337 : memref<100000x1024xf32, #tpu.memory_space<hbm>>) target(%arg13 : memref<8x1024xf32, #tpu.memory_space<vmem>>) offsets(%dma_start3A_334 : memref<8xi32, #tpu.memory_space<vmem>>) semaphore(%arg21 : memref<!tpu.dma_semaphore, #tpu.memory_space<semaphore_mem>>)
      } else {
      }
      %add3A_147 = arith.constant 1 : i32
      %add3A_148 = arith.addi %add3A_124, %add3A_147 : i32
      %mul3A_149 = arith.constant 8 : i32
      %mul3A_150 = arith.muli %add3A_148, %mul3A_149 : i32
      %dma_wait3A_151 = tpu.memref_slice %arg5[%mul3A_150] : memref<512xi32, #tpu.memory_space<vmem>> -> memref<8xi32, #tpu.memory_space<vmem>>
      %dma_wait3A_152 = arith.constant 0 : i32
      %dma_wait3A_153 = arith.constant 0 : i32
      %dma_wait3A_154 = tpu.memref_slice %arg3[%dma_wait3A_152, %dma_wait3A_153] : memref<100000x1024xf32, #tpu.memory_space<hbm>> -> memref<100000x1024xf32, #tpu.memory_space<hbm>>
      tpu.wait_indirect_dma semaphore(%arg15 : memref<!tpu.dma_semaphore, #tpu.memory_space<semaphore_mem>>) src(%dma_wait3A_154 : memref<100000x1024xf32, #tpu.memory_space<hbm>>) dst(%arg7 : memref<8x1024xf32, #tpu.memory_space<vmem>>)
      %parallel_loop3A_155 = arith.constant 0 : i32
      %parallel_loop3A_156 = arith.constant 512 : i32
      %parallel_loop3A_157 = arith.constant 1 : i32
      scf.for %parallel_loop3A_322 = %parallel_loop3A_155 to %parallel_loop3A_156 step %parallel_loop3A_157  : i32 {
        %parallel_loop3A_323 = arith.constant 64 : i32
        %parallel_loop3A_324 = arith.divsi %parallel_loop3A_322, %parallel_loop3A_323 : i32
        %parallel_loop3A_325 = arith.constant 0 : i32
        %parallel_loop3A_326 = arith.cmpi sgt, %parallel_loop3A_322, %parallel_loop3A_325 : i32
        %parallel_loop3A_327 = arith.extui %parallel_loop3A_326 : i1 to i32
        %parallel_loop3A_328 = arith.constant 0 : i32
        %parallel_loop3A_329 = arith.cmpi slt, %parallel_loop3A_322, %parallel_loop3A_328 : i32
        %parallel_loop3A_330 = arith.extui %parallel_loop3A_329 : i1 to i32
        %parallel_loop3A_331 = arith.subi %parallel_loop3A_327, %parallel_loop3A_330 : i32
        %parallel_loop3A_332 = arith.constant 0 : i32
        %parallel_loop3A_333 = arith.cmpi sgt, %parallel_loop3A_323, %parallel_loop3A_332 : i32
        %parallel_loop3A_334 = arith.extui %parallel_loop3A_333 : i1 to i32
        %parallel_loop3A_335 = arith.constant 0 : i32
        %parallel_loop3A_336 = arith.cmpi slt, %parallel_loop3A_323, %parallel_loop3A_335 : i32
        %parallel_loop3A_337 = arith.extui %parallel_loop3A_336 : i1 to i32
        %parallel_loop3A_338 = arith.subi %parallel_loop3A_334, %parallel_loop3A_337 : i32
        %parallel_loop3A_339 = arith.cmpi ne, %parallel_loop3A_331, %parallel_loop3A_338 : i32
        %parallel_loop3A_340 = arith.remsi %parallel_loop3A_322, %parallel_loop3A_323 : i32
        %parallel_loop3A_341 = arith.constant 0 : i32
        %parallel_loop3A_342 = arith.cmpi ne, %parallel_loop3A_340, %parallel_loop3A_341 : i32
        %parallel_loop3A_343 = arith.andi %parallel_loop3A_339, %parallel_loop3A_342 : i1
        %parallel_loop3A_344 = arith.constant 1 : i32
        %parallel_loop3A_345 = arith.subi %parallel_loop3A_324, %parallel_loop3A_344 : i32
        %parallel_loop3A_346 = arith.select %parallel_loop3A_343, %parallel_loop3A_345, %parallel_loop3A_324 : i32
        %parallel_loop3A_347 = arith.constant 64 : i32
        %parallel_loop3A_348 = arith.constant 0 : i32
        %parallel_loop3A_349 = arith.cmpi eq, %parallel_loop3A_347, %parallel_loop3A_348 : i32
        %parallel_loop3A_350 = arith.constant 1 : i32
        %parallel_loop3A_351 = arith.select %parallel_loop3A_349, %parallel_loop3A_350, %parallel_loop3A_347 : i32
        %parallel_loop3A_352 = arith.remsi %parallel_loop3A_322, %parallel_loop3A_351 : i32
        %parallel_loop3A_353 = arith.constant 0 : i32
        %parallel_loop3A_354 = arith.cmpi ne, %parallel_loop3A_352, %parallel_loop3A_353 : i32
        %parallel_loop3A_355 = arith.constant 0 : i32
        %parallel_loop3A_356 = arith.cmpi slt, %parallel_loop3A_352, %parallel_loop3A_355 : i32
        %parallel_loop3A_357 = arith.constant 0 : i32
        %parallel_loop3A_358 = arith.cmpi slt, %parallel_loop3A_351, %parallel_loop3A_357 : i32
        %parallel_loop3A_359 = arith.xori %parallel_loop3A_356, %parallel_loop3A_358 : i1
        %parallel_loop3A_360 = arith.andi %parallel_loop3A_359, %parallel_loop3A_354 : i1
        %parallel_loop3A_361 = arith.addi %parallel_loop3A_352, %parallel_loop3A_351 : i32
        %parallel_loop3A_362 = arith.select %parallel_loop3A_360, %parallel_loop3A_361, %parallel_loop3A_352 : i32
        %parallel_loop3A_363 = arith.constant 16 : i32
        %parallel_loop3A_364 = arith.muli %parallel_loop3A_362, %parallel_loop3A_363 : i32
        %parallel_loop3A_365 = arith.index_cast %parallel_loop3A_346 : i32 to index
        %parallel_loop3A_366 = arith.index_cast %parallel_loop3A_364 : i32 to index
        %parallel_loop3A_367 = tpu.vector_load %arg7[%parallel_loop3A_365, %parallel_loop3A_366] {strides = array<i32>} : memref<8x1024xf32, #tpu.memory_space<vmem>>, vector<1x16xf32>,
        %parallel_loop3A_368 = vector.shape_cast %parallel_loop3A_367 : vector<1x16xf32> to vector<16xf32>
        %parallel_loop3A_369 = arith.constant 3.200000e+01 : f32
        %parallel_loop3A_370 = vector.broadcast %parallel_loop3A_369 : f32 to vector<16xf32>
        %parallel_loop3A_371 = arith.mulf %parallel_loop3A_368, %parallel_loop3A_370 : vector<16xf32>
        %parallel_loop3A_372 = arith.index_cast %parallel_loop3A_346 : i32 to index
        %parallel_loop3A_373 = arith.index_cast %parallel_loop3A_364 : i32 to index
        %parallel_loop3A_374 = tpu.vector_load %arg7[%parallel_loop3A_372, %parallel_loop3A_373] {strides = array<i32>} : memref<8x1024xf32, #tpu.memory_space<vmem>>, vector<1x16xf32>,
        %parallel_loop3A_375 = vector.shape_cast %parallel_loop3A_374 : vector<1x16xf32> to vector<16xf32>
        %parallel_loop3A_376 = vector.shape_cast %parallel_loop3A_371 : vector<16xf32> to vector<1x16xf32>
        tpu.vector_store %arg7[%parallel_loop3A_372, %parallel_loop3A_373], %parallel_loop3A_376 {strides = array<i32>} : memref<8x1024xf32, #tpu.memory_space<vmem>>, vector<1x16xf32>,
      } {sc.loop_unroll_factor = 8 : i64, sc.parallel_access}
      %mul3A_158 = arith.constant 8 : i32
      %mul3A_159 = arith.muli %add3A_148, %mul3A_158 : i32
      %add3A_160 = arith.addi %mul3A_2, %mul3A_159 : i32
      %dma_start3A_161 = arith.constant 0 : i32
      %dma_start3A_162 = tpu.memref_slice %arg4[%add3A_160, %dma_start3A_161] : memref<16384x1024xf32, #tpu.memory_space<hbm>> -> memref<8x1024xf32, #tpu.memory_space<hbm>>
      %dma_start3A_163 = arith.constant 0 : i32
      %dma_start3A_164 = tpu.memref_slice %arg4[%add3A_160, %dma_start3A_163] : memref<16384x1024xf32, #tpu.memory_space<hbm>> -> memref<8x1024xf32, #tpu.memory_space<hbm>>
      tpu.enqueue_dma source(%arg7 : memref<8x1024xf32, #tpu.memory_space<vmem>>) target(%dma_start3A_164 : memref<8x1024xf32, #tpu.memory_space<hbm>>) target_semaphore(%arg23 : memref<!tpu.dma_semaphore, #tpu.memory_space<semaphore_mem>>)
      %add3A_165 = arith.constant 7 : i32
      %add3A_166 = arith.addi %add3A_148, %add3A_165 : i32
      %lt3A_167 = arith.constant 64 : i32
      %lt3A_168 = arith.cmpi slt, %add3A_166, %lt3A_167 : i32
      %convert_element_type3A_169 = arith.extui %lt3A_168 : i1 to i32
      %cond3A_170 = arith.constant 0 : i32
      %cond3A_171 = arith.cmpi ne, %convert_element_type3A_169, %cond3A_170 : i32
      scf.if %cond3A_171 {
        %add3A_322 = arith.constant 7 : i32
        %add3A_323 = arith.addi %add3A_148, %add3A_322 : i32
        %sub3A_324 = arith.constant 8 : i32
        %sub3A_325 = arith.subi %add3A_323, %sub3A_324 : i32
        %ge3A = arith.constant 0 : i32
        %ge3A_326 = arith.cmpi sge, %sub3A_325, %ge3A : i32
        %convert_element_type3A_327 = arith.extui %ge3A_326 : i1 to i32
        %cond3A_328 = arith.constant 0 : i32
        %cond3A_329 = arith.cmpi ne, %convert_element_type3A_327, %cond3A_328 : i32
        scf.if %cond3A_329 {
          %add3A_338 = arith.constant 7 : i32
          %add3A_339 = arith.addi %add3A_148, %add3A_338 : i32
          %sub3A_340 = arith.constant 8 : i32
          %sub3A_341 = arith.subi %add3A_339, %sub3A_340 : i32
          %mul3A_342 = arith.constant 8 : i32
          %mul3A_343 = arith.muli %sub3A_341, %mul3A_342 : i32
          %add3A_344 = arith.addi %mul3A_2, %mul3A_343 : i32
          %dma_wait3A_345 = arith.constant 0 : i32
          %dma_wait3A_346 = tpu.memref_slice %arg4[%add3A_344, %dma_wait3A_345] : memref<16384x1024xf32, #tpu.memory_space<hbm>> -> memref<8x1024xf32, #tpu.memory_space<hbm>>
          %dma_wait3A_347 = arith.constant 0 : i32
          %dma_wait3A_348 = tpu.memref_slice %arg4[%add3A_344, %dma_wait3A_347] : memref<16384x1024xf32, #tpu.memory_space<hbm>> -> memref<8x1024xf32, #tpu.memory_space<hbm>>
          tpu.wait_dma2 semaphore(%arg22 : memref<!tpu.dma_semaphore, #tpu.memory_space<semaphore_mem>>) src(%arg6 : memref<8x1024xf32, #tpu.memory_space<vmem>>) dst(%dma_wait3A_348 : memref<8x1024xf32, #tpu.memory_space<hbm>>)
        } else {
        }
        %add3A_330 = arith.constant 7 : i32
        %add3A_331 = arith.addi %add3A_148, %add3A_330 : i32
        %mul3A_332 = arith.constant 8 : i32
        %mul3A_333 = arith.muli %add3A_331, %mul3A_332 : i32
        %dma_start3A_334 = tpu.memref_slice %arg5[%mul3A_333] : memref<512xi32, #tpu.memory_space<vmem>> -> memref<8xi32, #tpu.memory_space<vmem>>
        %dma_start3A_335 = arith.constant 0 : i32
        %dma_start3A_336 = arith.constant 0 : i32
        %dma_start3A_337 = tpu.memref_slice %arg3[%dma_start3A_335, %dma_start3A_336] : memref<100000x1024xf32, #tpu.memory_space<hbm>> -> memref<100000x1024xf32, #tpu.memory_space<hbm>>
        tpu.enqueue_indirect_dma source(%dma_start3A_337 : memref<100000x1024xf32, #tpu.memory_space<hbm>>) target(%arg6 : memref<8x1024xf32, #tpu.memory_space<vmem>>) offsets(%dma_start3A_334 : memref<8xi32, #tpu.memory_space<vmem>>) semaphore(%arg14 : memref<!tpu.dma_semaphore, #tpu.memory_space<semaphore_mem>>)
      } else {
      }
      %add3A_172 = arith.constant 2 : i32
      %add3A_173 = arith.addi %add3A_124, %add3A_172 : i32
      %mul3A_174 = arith.constant 8 : i32
      %mul3A_175 = arith.muli %add3A_173, %mul3A_174 : i32
      %dma_wait3A_176 = tpu.memref_slice %arg5[%mul3A_175] : memref<512xi32, #tpu.memory_space<vmem>> -> memref<8xi32, #tpu.memory_space<vmem>>
      %dma_wait3A_177 = arith.constant 0 : i32
      %dma_wait3A_178 = arith.constant 0 : i32
      %dma_wait3A_179 = tpu.memref_slice %arg3[%dma_wait3A_177, %dma_wait3A_178] : memref<100000x1024xf32, #tpu.memory_space<hbm>> -> memref<100000x1024xf32, #tpu.memory_space<hbm>>
      tpu.wait_indirect_dma semaphore(%arg16 : memref<!tpu.dma_semaphore, #tpu.memory_space<semaphore_mem>>) src(%dma_wait3A_179 : memref<100000x1024xf32, #tpu.memory_space<hbm>>) dst(%arg8 : memref<8x1024xf32, #tpu.memory_space<vmem>>)
      %parallel_loop3A_180 = arith.constant 0 : i32
      %parallel_loop3A_181 = arith.constant 512 : i32
      %parallel_loop3A_182 = arith.constant 1 : i32
      scf.for %parallel_loop3A_322 = %parallel_loop3A_180 to %parallel_loop3A_181 step %parallel_loop3A_182  : i32 {
        %parallel_loop3A_323 = arith.constant 64 : i32
        %parallel_loop3A_324 = arith.divsi %parallel_loop3A_322, %parallel_loop3A_323 : i32
        %parallel_loop3A_325 = arith.constant 0 : i32
        %parallel_loop3A_326 = arith.cmpi sgt, %parallel_loop3A_322, %parallel_loop3A_325 : i32
        %parallel_loop3A_327 = arith.extui %parallel_loop3A_326 : i1 to i32
        %parallel_loop3A_328 = arith.constant 0 : i32
        %parallel_loop3A_329 = arith.cmpi slt, %parallel_loop3A_322, %parallel_loop3A_328 : i32
        %parallel_loop3A_330 = arith.extui %parallel_loop3A_329 : i1 to i32
        %parallel_loop3A_331 = arith.subi %parallel_loop3A_327, %parallel_loop3A_330 : i32
        %parallel_loop3A_332 = arith.constant 0 : i32
        %parallel_loop3A_333 = arith.cmpi sgt, %parallel_loop3A_323, %parallel_loop3A_332 : i32
        %parallel_loop3A_334 = arith.extui %parallel_loop3A_333 : i1 to i32
        %parallel_loop3A_335 = arith.constant 0 : i32
        %parallel_loop3A_336 = arith.cmpi slt, %parallel_loop3A_323, %parallel_loop3A_335 : i32
        %parallel_loop3A_337 = arith.extui %parallel_loop3A_336 : i1 to i32
        %parallel_loop3A_338 = arith.subi %parallel_loop3A_334, %parallel_loop3A_337 : i32
        %parallel_loop3A_339 = arith.cmpi ne, %parallel_loop3A_331, %parallel_loop3A_338 : i32
        %parallel_loop3A_340 = arith.remsi %parallel_loop3A_322, %parallel_loop3A_323 : i32
        %parallel_loop3A_341 = arith.constant 0 : i32
        %parallel_loop3A_342 = arith.cmpi ne, %parallel_loop3A_340, %parallel_loop3A_341 : i32
        %parallel_loop3A_343 = arith.andi %parallel_loop3A_339, %parallel_loop3A_342 : i1
        %parallel_loop3A_344 = arith.constant 1 : i32
        %parallel_loop3A_345 = arith.subi %parallel_loop3A_324, %parallel_loop3A_344 : i32
        %parallel_loop3A_346 = arith.select %parallel_loop3A_343, %parallel_loop3A_345, %parallel_loop3A_324 : i32
        %parallel_loop3A_347 = arith.constant 64 : i32
        %parallel_loop3A_348 = arith.constant 0 : i32
        %parallel_loop3A_349 = arith.cmpi eq, %parallel_loop3A_347, %parallel_loop3A_348 : i32
        %parallel_loop3A_350 = arith.constant 1 : i32
        %parallel_loop3A_351 = arith.select %parallel_loop3A_349, %parallel_loop3A_350, %parallel_loop3A_347 : i32
        %parallel_loop3A_352 = arith.remsi %parallel_loop3A_322, %parallel_loop3A_351 : i32
        %parallel_loop3A_353 = arith.constant 0 : i32
        %parallel_loop3A_354 = arith.cmpi ne, %parallel_loop3A_352, %parallel_loop3A_353 : i32
        %parallel_loop3A_355 = arith.constant 0 : i32
        %parallel_loop3A_356 = arith.cmpi slt, %parallel_loop3A_352, %parallel_loop3A_355 : i32
        %parallel_loop3A_357 = arith.constant 0 : i32
        %parallel_loop3A_358 = arith.cmpi slt, %parallel_loop3A_351, %parallel_loop3A_357 : i32
        %parallel_loop3A_359 = arith.xori %parallel_loop3A_356, %parallel_loop3A_358 : i1
        %parallel_loop3A_360 = arith.andi %parallel_loop3A_359, %parallel_loop3A_354 : i1
        %parallel_loop3A_361 = arith.addi %parallel_loop3A_352, %parallel_loop3A_351 : i32
        %parallel_loop3A_362 = arith.select %parallel_loop3A_360, %parallel_loop3A_361, %parallel_loop3A_352 : i32
        %parallel_loop3A_363 = arith.constant 16 : i32
        %parallel_loop3A_364 = arith.muli %parallel_loop3A_362, %parallel_loop3A_363 : i32
        %parallel_loop3A_365 = arith.index_cast %parallel_loop3A_346 : i32 to index
        %parallel_loop3A_366 = arith.index_cast %parallel_loop3A_364 : i32 to index
        %parallel_loop3A_367 = tpu.vector_load %arg8[%parallel_loop3A_365, %parallel_loop3A_366] {strides = array<i32>} : memref<8x1024xf32, #tpu.memory_space<vmem>>, vector<1x16xf32>,
        %parallel_loop3A_368 = vector.shape_cast %parallel_loop3A_367 : vector<1x16xf32> to vector<16xf32>
        %parallel_loop3A_369 = arith.constant 3.200000e+01 : f32
        %parallel_loop3A_370 = vector.broadcast %parallel_loop3A_369 : f32 to vector<16xf32>
        %parallel_loop3A_371 = arith.mulf %parallel_loop3A_368, %parallel_loop3A_370 : vector<16xf32>
        %parallel_loop3A_372 = arith.index_cast %parallel_loop3A_346 : i32 to index
        %parallel_loop3A_373 = arith.index_cast %parallel_loop3A_364 : i32 to index
        %parallel_loop3A_374 = tpu.vector_load %arg8[%parallel_loop3A_372, %parallel_loop3A_373] {strides = array<i32>} : memref<8x1024xf32, #tpu.memory_space<vmem>>, vector<1x16xf32>,
        %parallel_loop3A_375 = vector.shape_cast %parallel_loop3A_374 : vector<1x16xf32> to vector<16xf32>
        %parallel_loop3A_376 = vector.shape_cast %parallel_loop3A_371 : vector<16xf32> to vector<1x16xf32>
        tpu.vector_store %arg8[%parallel_loop3A_372, %parallel_loop3A_373], %parallel_loop3A_376 {strides = array<i32>} : memref<8x1024xf32, #tpu.memory_space<vmem>>, vector<1x16xf32>,
      } {sc.loop_unroll_factor = 8 : i64, sc.parallel_access}
      %mul3A_183 = arith.constant 8 : i32
      %mul3A_184 = arith.muli %add3A_173, %mul3A_183 : i32
      %add3A_185 = arith.addi %mul3A_2, %mul3A_184 : i32
      %dma_start3A_186 = arith.constant 0 : i32
      %dma_start3A_187 = tpu.memref_slice %arg4[%add3A_185, %dma_start3A_186] : memref<16384x1024xf32, #tpu.memory_space<hbm>> -> memref<8x1024xf32, #tpu.memory_space<hbm>>
      %dma_start3A_188 = arith.constant 0 : i32
      %dma_start3A_189 = tpu.memref_slice %arg4[%add3A_185, %dma_start3A_188] : memref<16384x1024xf32, #tpu.memory_space<hbm>> -> memref<8x1024xf32, #tpu.memory_space<hbm>>
      tpu.enqueue_dma source(%arg8 : memref<8x1024xf32, #tpu.memory_space<vmem>>) target(%dma_start3A_189 : memref<8x1024xf32, #tpu.memory_space<hbm>>) target_semaphore(%arg24 : memref<!tpu.dma_semaphore, #tpu.memory_space<semaphore_mem>>)
      %add3A_190 = arith.constant 7 : i32
      %add3A_191 = arith.addi %add3A_173, %add3A_190 : i32
      %lt3A_192 = arith.constant 64 : i32
      %lt3A_193 = arith.cmpi slt, %add3A_191, %lt3A_192 : i32
      %convert_element_type3A_194 = arith.extui %lt3A_193 : i1 to i32
      %cond3A_195 = arith.constant 0 : i32
      %cond3A_196 = arith.cmpi ne, %convert_element_type3A_194, %cond3A_195 : i32
      scf.if %cond3A_196 {
        %add3A_322 = arith.constant 7 : i32
        %add3A_323 = arith.addi %add3A_173, %add3A_322 : i32
        %sub3A_324 = arith.constant 8 : i32
        %sub3A_325 = arith.subi %add3A_323, %sub3A_324 : i32
        %ge3A = arith.constant 0 : i32
        %ge3A_326 = arith.cmpi sge, %sub3A_325, %ge3A : i32
        %convert_element_type3A_327 = arith.extui %ge3A_326 : i1 to i32
        %cond3A_328 = arith.constant 0 : i32
        %cond3A_329 = arith.cmpi ne, %convert_element_type3A_327, %cond3A_328 : i32
        scf.if %cond3A_329 {
          %add3A_338 = arith.constant 7 : i32
          %add3A_339 = arith.addi %add3A_173, %add3A_338 : i32
          %sub3A_340 = arith.constant 8 : i32
          %sub3A_341 = arith.subi %add3A_339, %sub3A_340 : i32
          %mul3A_342 = arith.constant 8 : i32
          %mul3A_343 = arith.muli %sub3A_341, %mul3A_342 : i32
          %add3A_344 = arith.addi %mul3A_2, %mul3A_343 : i32
          %dma_wait3A_345 = arith.constant 0 : i32
          %dma_wait3A_346 = tpu.memref_slice %arg4[%add3A_344, %dma_wait3A_345] : memref<16384x1024xf32, #tpu.memory_space<hbm>> -> memref<8x1024xf32, #tpu.memory_space<hbm>>
          %dma_wait3A_347 = arith.constant 0 : i32
          %dma_wait3A_348 = tpu.memref_slice %arg4[%add3A_344, %dma_wait3A_347] : memref<16384x1024xf32, #tpu.memory_space<hbm>> -> memref<8x1024xf32, #tpu.memory_space<hbm>>
          tpu.wait_dma2 semaphore(%arg23 : memref<!tpu.dma_semaphore, #tpu.memory_space<semaphore_mem>>) src(%arg7 : memref<8x1024xf32, #tpu.memory_space<vmem>>) dst(%dma_wait3A_348 : memref<8x1024xf32, #tpu.memory_space<hbm>>)
        } else {
        }
        %add3A_330 = arith.constant 7 : i32
        %add3A_331 = arith.addi %add3A_173, %add3A_330 : i32
        %mul3A_332 = arith.constant 8 : i32
        %mul3A_333 = arith.muli %add3A_331, %mul3A_332 : i32
        %dma_start3A_334 = tpu.memref_slice %arg5[%mul3A_333] : memref<512xi32, #tpu.memory_space<vmem>> -> memref<8xi32, #tpu.memory_space<vmem>>
        %dma_start3A_335 = arith.constant 0 : i32
        %dma_start3A_336 = arith.constant 0 : i32
        %dma_start3A_337 = tpu.memref_slice %arg3[%dma_start3A_335, %dma_start3A_336] : memref<100000x1024xf32, #tpu.memory_space<hbm>> -> memref<100000x1024xf32, #tpu.memory_space<hbm>>
        tpu.enqueue_indirect_dma source(%dma_start3A_337 : memref<100000x1024xf32, #tpu.memory_space<hbm>>) target(%arg7 : memref<8x1024xf32, #tpu.memory_space<vmem>>) offsets(%dma_start3A_334 : memref<8xi32, #tpu.memory_space<vmem>>) semaphore(%arg15 : memref<!tpu.dma_semaphore, #tpu.memory_space<semaphore_mem>>)
      } else {
      }
      %add3A_197 = arith.constant 3 : i32
      %add3A_198 = arith.addi %add3A_124, %add3A_197 : i32
      %mul3A_199 = arith.constant 8 : i32
      %mul3A_200 = arith.muli %add3A_198, %mul3A_199 : i32
      %dma_wait3A_201 = tpu.memref_slice %arg5[%mul3A_200] : memref<512xi32, #tpu.memory_space<vmem>> -> memref<8xi32, #tpu.memory_space<vmem>>
      %dma_wait3A_202 = arith.constant 0 : i32
      %dma_wait3A_203 = arith.constant 0 : i32
      %dma_wait3A_204 = tpu.memref_slice %arg3[%dma_wait3A_202, %dma_wait3A_203] : memref<100000x1024xf32, #tpu.memory_space<hbm>> -> memref<100000x1024xf32, #tpu.memory_space<hbm>>
      tpu.wait_indirect_dma semaphore(%arg17 : memref<!tpu.dma_semaphore, #tpu.memory_space<semaphore_mem>>) src(%dma_wait3A_204 : memref<100000x1024xf32, #tpu.memory_space<hbm>>) dst(%arg9 : memref<8x1024xf32, #tpu.memory_space<vmem>>)
      %parallel_loop3A_205 = arith.constant 0 : i32
      %parallel_loop3A_206 = arith.constant 512 : i32
      %parallel_loop3A_207 = arith.constant 1 : i32
      scf.for %parallel_loop3A_322 = %parallel_loop3A_205 to %parallel_loop3A_206 step %parallel_loop3A_207  : i32 {
        %parallel_loop3A_323 = arith.constant 64 : i32
        %parallel_loop3A_324 = arith.divsi %parallel_loop3A_322, %parallel_loop3A_323 : i32
        %parallel_loop3A_325 = arith.constant 0 : i32
        %parallel_loop3A_326 = arith.cmpi sgt, %parallel_loop3A_322, %parallel_loop3A_325 : i32
        %parallel_loop3A_327 = arith.extui %parallel_loop3A_326 : i1 to i32
        %parallel_loop3A_328 = arith.constant 0 : i32
        %parallel_loop3A_329 = arith.cmpi slt, %parallel_loop3A_322, %parallel_loop3A_328 : i32
        %parallel_loop3A_330 = arith.extui %parallel_loop3A_329 : i1 to i32
        %parallel_loop3A_331 = arith.subi %parallel_loop3A_327, %parallel_loop3A_330 : i32
        %parallel_loop3A_332 = arith.constant 0 : i32
        %parallel_loop3A_333 = arith.cmpi sgt, %parallel_loop3A_323, %parallel_loop3A_332 : i32
        %parallel_loop3A_334 = arith.extui %parallel_loop3A_333 : i1 to i32
        %parallel_loop3A_335 = arith.constant 0 : i32
        %parallel_loop3A_336 = arith.cmpi slt, %parallel_loop3A_323, %parallel_loop3A_335 : i32
        %parallel_loop3A_337 = arith.extui %parallel_loop3A_336 : i1 to i32
        %parallel_loop3A_338 = arith.subi %parallel_loop3A_334, %parallel_loop3A_337 : i32
        %parallel_loop3A_339 = arith.cmpi ne, %parallel_loop3A_331, %parallel_loop3A_338 : i32
        %parallel_loop3A_340 = arith.remsi %parallel_loop3A_322, %parallel_loop3A_323 : i32
        %parallel_loop3A_341 = arith.constant 0 : i32
        %parallel_loop3A_342 = arith.cmpi ne, %parallel_loop3A_340, %parallel_loop3A_341 : i32
        %parallel_loop3A_343 = arith.andi %parallel_loop3A_339, %parallel_loop3A_342 : i1
        %parallel_loop3A_344 = arith.constant 1 : i32
        %parallel_loop3A_345 = arith.subi %parallel_loop3A_324, %parallel_loop3A_344 : i32
        %parallel_loop3A_346 = arith.select %parallel_loop3A_343, %parallel_loop3A_345, %parallel_loop3A_324 : i32
        %parallel_loop3A_347 = arith.constant 64 : i32
        %parallel_loop3A_348 = arith.constant 0 : i32
        %parallel_loop3A_349 = arith.cmpi eq, %parallel_loop3A_347, %parallel_loop3A_348 : i32
        %parallel_loop3A_350 = arith.constant 1 : i32
        %parallel_loop3A_351 = arith.select %parallel_loop3A_349, %parallel_loop3A_350, %parallel_loop3A_347 : i32
        %parallel_loop3A_352 = arith.remsi %parallel_loop3A_322, %parallel_loop3A_351 : i32
        %parallel_loop3A_353 = arith.constant 0 : i32
        %parallel_loop3A_354 = arith.cmpi ne, %parallel_loop3A_352, %parallel_loop3A_353 : i32
        %parallel_loop3A_355 = arith.constant 0 : i32
        %parallel_loop3A_356 = arith.cmpi slt, %parallel_loop3A_352, %parallel_loop3A_355 : i32
        %parallel_loop3A_357 = arith.constant 0 : i32
        %parallel_loop3A_358 = arith.cmpi slt, %parallel_loop3A_351, %parallel_loop3A_357 : i32
        %parallel_loop3A_359 = arith.xori %parallel_loop3A_356, %parallel_loop3A_358 : i1
        %parallel_loop3A_360 = arith.andi %parallel_loop3A_359, %parallel_loop3A_354 : i1
        %parallel_loop3A_361 = arith.addi %parallel_loop3A_352, %parallel_loop3A_351 : i32
        %parallel_loop3A_362 = arith.select %parallel_loop3A_360, %parallel_loop3A_361, %parallel_loop3A_352 : i32
        %parallel_loop3A_363 = arith.constant 16 : i32
        %parallel_loop3A_364 = arith.muli %parallel_loop3A_362, %parallel_loop3A_363 : i32
        %parallel_loop3A_365 = arith.index_cast %parallel_loop3A_346 : i32 to index
        %parallel_loop3A_366 = arith.index_cast %parallel_loop3A_364 : i32 to index
        %parallel_loop3A_367 = tpu.vector_load %arg9[%parallel_loop3A_365, %parallel_loop3A_366] {strides = array<i32>} : memref<8x1024xf32, #tpu.memory_space<vmem>>, vector<1x16xf32>,
        %parallel_loop3A_368 = vector.shape_cast %parallel_loop3A_367 : vector<1x16xf32> to vector<16xf32>
        %parallel_loop3A_369 = arith.constant 3.200000e+01 : f32
        %parallel_loop3A_370 = vector.broadcast %parallel_loop3A_369 : f32 to vector<16xf32>
        %parallel_loop3A_371 = arith.mulf %parallel_loop3A_368, %parallel_loop3A_370 : vector<16xf32>
        %parallel_loop3A_372 = arith.index_cast %parallel_loop3A_346 : i32 to index
        %parallel_loop3A_373 = arith.index_cast %parallel_loop3A_364 : i32 to index
        %parallel_loop3A_374 = tpu.vector_load %arg9[%parallel_loop3A_372, %parallel_loop3A_373] {strides = array<i32>} : memref<8x1024xf32, #tpu.memory_space<vmem>>, vector<1x16xf32>,
        %parallel_loop3A_375 = vector.shape_cast %parallel_loop3A_374 : vector<1x16xf32> to vector<16xf32>
        %parallel_loop3A_376 = vector.shape_cast %parallel_loop3A_371 : vector<16xf32> to vector<1x16xf32>
        tpu.vector_store %arg9[%parallel_loop3A_372, %parallel_loop3A_373], %parallel_loop3A_376 {strides = array<i32>} : memref<8x1024xf32, #tpu.memory_space<vmem>>, vector<1x16xf32>,
      } {sc.loop_unroll_factor = 8 : i64, sc.parallel_access}
      %mul3A_208 = arith.constant 8 : i32
      %mul3A_209 = arith.muli %add3A_198, %mul3A_208 : i32
      %add3A_210 = arith.addi %mul3A_2, %mul3A_209 : i32
      %dma_start3A_211 = arith.constant 0 : i32
      %dma_start3A_212 = tpu.memref_slice %arg4[%add3A_210, %dma_start3A_211] : memref<16384x1024xf32, #tpu.memory_space<hbm>> -> memref<8x1024xf32, #tpu.memory_space<hbm>>
      %dma_start3A_213 = arith.constant 0 : i32
      %dma_start3A_214 = tpu.memref_slice %arg4[%add3A_210, %dma_start3A_213] : memref<16384x1024xf32, #tpu.memory_space<hbm>> -> memref<8x1024xf32, #tpu.memory_space<hbm>>
      tpu.enqueue_dma source(%arg9 : memref<8x1024xf32, #tpu.memory_space<vmem>>) target(%dma_start3A_214 : memref<8x1024xf32, #tpu.memory_space<hbm>>) target_semaphore(%arg25 : memref<!tpu.dma_semaphore, #tpu.memory_space<semaphore_mem>>)
      %add3A_215 = arith.constant 7 : i32
      %add3A_216 = arith.addi %add3A_198, %add3A_215 : i32
      %lt3A_217 = arith.constant 64 : i32
      %lt3A_218 = arith.cmpi slt, %add3A_216, %lt3A_217 : i32
      %convert_element_type3A_219 = arith.extui %lt3A_218 : i1 to i32
      %cond3A_220 = arith.constant 0 : i32
      %cond3A_221 = arith.cmpi ne, %convert_element_type3A_219, %cond3A_220 : i32
      scf.if %cond3A_221 {
        %add3A_322 = arith.constant 7 : i32
        %add3A_323 = arith.addi %add3A_198, %add3A_322 : i32
        %sub3A_324 = arith.constant 8 : i32
        %sub3A_325 = arith.subi %add3A_323, %sub3A_324 : i32
        %ge3A = arith.constant 0 : i32
        %ge3A_326 = arith.cmpi sge, %sub3A_325, %ge3A : i32
        %convert_element_type3A_327 = arith.extui %ge3A_326 : i1 to i32
        %cond3A_328 = arith.constant 0 : i32
        %cond3A_329 = arith.cmpi ne, %convert_element_type3A_327, %cond3A_328 : i32
        scf.if %cond3A_329 {
          %add3A_338 = arith.constant 7 : i32
          %add3A_339 = arith.addi %add3A_198, %add3A_338 : i32
          %sub3A_340 = arith.constant 8 : i32
          %sub3A_341 = arith.subi %add3A_339, %sub3A_340 : i32
          %mul3A_342 = arith.constant 8 : i32
          %mul3A_343 = arith.muli %sub3A_341, %mul3A_342 : i32
          %add3A_344 = arith.addi %mul3A_2, %mul3A_343 : i32
          %dma_wait3A_345 = arith.constant 0 : i32
          %dma_wait3A_346 = tpu.memref_slice %arg4[%add3A_344, %dma_wait3A_345] : memref<16384x1024xf32, #tpu.memory_space<hbm>> -> memref<8x1024xf32, #tpu.memory_space<hbm>>
          %dma_wait3A_347 = arith.constant 0 : i32
          %dma_wait3A_348 = tpu.memref_slice %arg4[%add3A_344, %dma_wait3A_347] : memref<16384x1024xf32, #tpu.memory_space<hbm>> -> memref<8x1024xf32, #tpu.memory_space<hbm>>
          tpu.wait_dma2 semaphore(%arg24 : memref<!tpu.dma_semaphore, #tpu.memory_space<semaphore_mem>>) src(%arg8 : memref<8x1024xf32, #tpu.memory_space<vmem>>) dst(%dma_wait3A_348 : memref<8x1024xf32, #tpu.memory_space<hbm>>)
        } else {
        }
        %add3A_330 = arith.constant 7 : i32
        %add3A_331 = arith.addi %add3A_198, %add3A_330 : i32
        %mul3A_332 = arith.constant 8 : i32
        %mul3A_333 = arith.muli %add3A_331, %mul3A_332 : i32
        %dma_start3A_334 = tpu.memref_slice %arg5[%mul3A_333] : memref<512xi32, #tpu.memory_space<vmem>> -> memref<8xi32, #tpu.memory_space<vmem>>
        %dma_start3A_335 = arith.constant 0 : i32
        %dma_start3A_336 = arith.constant 0 : i32
        %dma_start3A_337 = tpu.memref_slice %arg3[%dma_start3A_335, %dma_start3A_336] : memref<100000x1024xf32, #tpu.memory_space<hbm>> -> memref<100000x1024xf32, #tpu.memory_space<hbm>>
        tpu.enqueue_indirect_dma source(%dma_start3A_337 : memref<100000x1024xf32, #tpu.memory_space<hbm>>) target(%arg8 : memref<8x1024xf32, #tpu.memory_space<vmem>>) offsets(%dma_start3A_334 : memref<8xi32, #tpu.memory_space<vmem>>) semaphore(%arg16 : memref<!tpu.dma_semaphore, #tpu.memory_space<semaphore_mem>>)
      } else {
      }
      %add3A_222 = arith.constant 4 : i32
      %add3A_223 = arith.addi %add3A_124, %add3A_222 : i32
      %mul3A_224 = arith.constant 8 : i32
      %mul3A_225 = arith.muli %add3A_223, %mul3A_224 : i32
      %dma_wait3A_226 = tpu.memref_slice %arg5[%mul3A_225] : memref<512xi32, #tpu.memory_space<vmem>> -> memref<8xi32, #tpu.memory_space<vmem>>
      %dma_wait3A_227 = arith.constant 0 : i32
      %dma_wait3A_228 = arith.constant 0 : i32
      %dma_wait3A_229 = tpu.memref_slice %arg3[%dma_wait3A_227, %dma_wait3A_228] : memref<100000x1024xf32, #tpu.memory_space<hbm>> -> memref<100000x1024xf32, #tpu.memory_space<hbm>>
      tpu.wait_indirect_dma semaphore(%arg18 : memref<!tpu.dma_semaphore, #tpu.memory_space<semaphore_mem>>) src(%dma_wait3A_229 : memref<100000x1024xf32, #tpu.memory_space<hbm>>) dst(%arg10 : memref<8x1024xf32, #tpu.memory_space<vmem>>)
      %parallel_loop3A_230 = arith.constant 0 : i32
      %parallel_loop3A_231 = arith.constant 512 : i32
      %parallel_loop3A_232 = arith.constant 1 : i32
      scf.for %parallel_loop3A_322 = %parallel_loop3A_230 to %parallel_loop3A_231 step %parallel_loop3A_232  : i32 {
        %parallel_loop3A_323 = arith.constant 64 : i32
        %parallel_loop3A_324 = arith.divsi %parallel_loop3A_322, %parallel_loop3A_323 : i32
        %parallel_loop3A_325 = arith.constant 0 : i32
        %parallel_loop3A_326 = arith.cmpi sgt, %parallel_loop3A_322, %parallel_loop3A_325 : i32
        %parallel_loop3A_327 = arith.extui %parallel_loop3A_326 : i1 to i32
        %parallel_loop3A_328 = arith.constant 0 : i32
        %parallel_loop3A_329 = arith.cmpi slt, %parallel_loop3A_322, %parallel_loop3A_328 : i32
        %parallel_loop3A_330 = arith.extui %parallel_loop3A_329 : i1 to i32
        %parallel_loop3A_331 = arith.subi %parallel_loop3A_327, %parallel_loop3A_330 : i32
        %parallel_loop3A_332 = arith.constant 0 : i32
        %parallel_loop3A_333 = arith.cmpi sgt, %parallel_loop3A_323, %parallel_loop3A_332 : i32
        %parallel_loop3A_334 = arith.extui %parallel_loop3A_333 : i1 to i32
        %parallel_loop3A_335 = arith.constant 0 : i32
        %parallel_loop3A_336 = arith.cmpi slt, %parallel_loop3A_323, %parallel_loop3A_335 : i32
        %parallel_loop3A_337 = arith.extui %parallel_loop3A_336 : i1 to i32
        %parallel_loop3A_338 = arith.subi %parallel_loop3A_334, %parallel_loop3A_337 : i32
        %parallel_loop3A_339 = arith.cmpi ne, %parallel_loop3A_331, %parallel_loop3A_338 : i32
        %parallel_loop3A_340 = arith.remsi %parallel_loop3A_322, %parallel_loop3A_323 : i32
        %parallel_loop3A_341 = arith.constant 0 : i32
        %parallel_loop3A_342 = arith.cmpi ne, %parallel_loop3A_340, %parallel_loop3A_341 : i32
        %parallel_loop3A_343 = arith.andi %parallel_loop3A_339, %parallel_loop3A_342 : i1
        %parallel_loop3A_344 = arith.constant 1 : i32
        %parallel_loop3A_345 = arith.subi %parallel_loop3A_324, %parallel_loop3A_344 : i32
        %parallel_loop3A_346 = arith.select %parallel_loop3A_343, %parallel_loop3A_345, %parallel_loop3A_324 : i32
        %parallel_loop3A_347 = arith.constant 64 : i32
        %parallel_loop3A_348 = arith.constant 0 : i32
        %parallel_loop3A_349 = arith.cmpi eq, %parallel_loop3A_347, %parallel_loop3A_348 : i32
        %parallel_loop3A_350 = arith.constant 1 : i32
        %parallel_loop3A_351 = arith.select %parallel_loop3A_349, %parallel_loop3A_350, %parallel_loop3A_347 : i32
        %parallel_loop3A_352 = arith.remsi %parallel_loop3A_322, %parallel_loop3A_351 : i32
        %parallel_loop3A_353 = arith.constant 0 : i32
        %parallel_loop3A_354 = arith.cmpi ne, %parallel_loop3A_352, %parallel_loop3A_353 : i32
        %parallel_loop3A_355 = arith.constant 0 : i32
        %parallel_loop3A_356 = arith.cmpi slt, %parallel_loop3A_352, %parallel_loop3A_355 : i32
        %parallel_loop3A_357 = arith.constant 0 : i32
        %parallel_loop3A_358 = arith.cmpi slt, %parallel_loop3A_351, %parallel_loop3A_357 : i32
        %parallel_loop3A_359 = arith.xori %parallel_loop3A_356, %parallel_loop3A_358 : i1
        %parallel_loop3A_360 = arith.andi %parallel_loop3A_359, %parallel_loop3A_354 : i1
        %parallel_loop3A_361 = arith.addi %parallel_loop3A_352, %parallel_loop3A_351 : i32
        %parallel_loop3A_362 = arith.select %parallel_loop3A_360, %parallel_loop3A_361, %parallel_loop3A_352 : i32
        %parallel_loop3A_363 = arith.constant 16 : i32
        %parallel_loop3A_364 = arith.muli %parallel_loop3A_362, %parallel_loop3A_363 : i32
        %parallel_loop3A_365 = arith.index_cast %parallel_loop3A_346 : i32 to index
        %parallel_loop3A_366 = arith.index_cast %parallel_loop3A_364 : i32 to index
        %parallel_loop3A_367 = tpu.vector_load %arg10[%parallel_loop3A_365, %parallel_loop3A_366] {strides = array<i32>} : memref<8x1024xf32, #tpu.memory_space<vmem>>, vector<1x16xf32>,
        %parallel_loop3A_368 = vector.shape_cast %parallel_loop3A_367 : vector<1x16xf32> to vector<16xf32>
        %parallel_loop3A_369 = arith.constant 3.200000e+01 : f32
        %parallel_loop3A_370 = vector.broadcast %parallel_loop3A_369 : f32 to vector<16xf32>
        %parallel_loop3A_371 = arith.mulf %parallel_loop3A_368, %parallel_loop3A_370 : vector<16xf32>
        %parallel_loop3A_372 = arith.index_cast %parallel_loop3A_346 : i32 to index
        %parallel_loop3A_373 = arith.index_cast %parallel_loop3A_364 : i32 to index
        %parallel_loop3A_374 = tpu.vector_load %arg10[%parallel_loop3A_372, %parallel_loop3A_373] {strides = array<i32>} : memref<8x1024xf32, #tpu.memory_space<vmem>>, vector<1x16xf32>,
        %parallel_loop3A_375 = vector.shape_cast %parallel_loop3A_374 : vector<1x16xf32> to vector<16xf32>
        %parallel_loop3A_376 = vector.shape_cast %parallel_loop3A_371 : vector<16xf32> to vector<1x16xf32>
        tpu.vector_store %arg10[%parallel_loop3A_372, %parallel_loop3A_373], %parallel_loop3A_376 {strides = array<i32>} : memref<8x1024xf32, #tpu.memory_space<vmem>>, vector<1x16xf32>,
      } {sc.loop_unroll_factor = 8 : i64, sc.parallel_access}
      %mul3A_233 = arith.constant 8 : i32
      %mul3A_234 = arith.muli %add3A_223, %mul3A_233 : i32
      %add3A_235 = arith.addi %mul3A_2, %mul3A_234 : i32
      %dma_start3A_236 = arith.constant 0 : i32
      %dma_start3A_237 = tpu.memref_slice %arg4[%add3A_235, %dma_start3A_236] : memref<16384x1024xf32, #tpu.memory_space<hbm>> -> memref<8x1024xf32, #tpu.memory_space<hbm>>
      %dma_start3A_238 = arith.constant 0 : i32
      %dma_start3A_239 = tpu.memref_slice %arg4[%add3A_235, %dma_start3A_238] : memref<16384x1024xf32, #tpu.memory_space<hbm>> -> memref<8x1024xf32, #tpu.memory_space<hbm>>
      tpu.enqueue_dma source(%arg10 : memref<8x1024xf32, #tpu.memory_space<vmem>>) target(%dma_start3A_239 : memref<8x1024xf32, #tpu.memory_space<hbm>>) target_semaphore(%arg26 : memref<!tpu.dma_semaphore, #tpu.memory_space<semaphore_mem>>)
      %add3A_240 = arith.constant 7 : i32
      %add3A_241 = arith.addi %add3A_223, %add3A_240 : i32
      %lt3A_242 = arith.constant 64 : i32
      %lt3A_243 = arith.cmpi slt, %add3A_241, %lt3A_242 : i32
      %convert_element_type3A_244 = arith.extui %lt3A_243 : i1 to i32
      %cond3A_245 = arith.constant 0 : i32
      %cond3A_246 = arith.cmpi ne, %convert_element_type3A_244, %cond3A_245 : i32
      scf.if %cond3A_246 {
        %add3A_322 = arith.constant 7 : i32
        %add3A_323 = arith.addi %add3A_223, %add3A_322 : i32
        %sub3A_324 = arith.constant 8 : i32
        %sub3A_325 = arith.subi %add3A_323, %sub3A_324 : i32
        %ge3A = arith.constant 0 : i32
        %ge3A_326 = arith.cmpi sge, %sub3A_325, %ge3A : i32
        %convert_element_type3A_327 = arith.extui %ge3A_326 : i1 to i32
        %cond3A_328 = arith.constant 0 : i32
        %cond3A_329 = arith.cmpi ne, %convert_element_type3A_327, %cond3A_328 : i32
        scf.if %cond3A_329 {
          %add3A_338 = arith.constant 7 : i32
          %add3A_339 = arith.addi %add3A_223, %add3A_338 : i32
          %sub3A_340 = arith.constant 8 : i32
          %sub3A_341 = arith.subi %add3A_339, %sub3A_340 : i32
          %mul3A_342 = arith.constant 8 : i32
          %mul3A_343 = arith.muli %sub3A_341, %mul3A_342 : i32
          %add3A_344 = arith.addi %mul3A_2, %mul3A_343 : i32
          %dma_wait3A_345 = arith.constant 0 : i32
          %dma_wait3A_346 = tpu.memref_slice %arg4[%add3A_344, %dma_wait3A_345] : memref<16384x1024xf32, #tpu.memory_space<hbm>> -> memref<8x1024xf32, #tpu.memory_space<hbm>>
          %dma_wait3A_347 = arith.constant 0 : i32
          %dma_wait3A_348 = tpu.memref_slice %arg4[%add3A_344, %dma_wait3A_347] : memref<16384x1024xf32, #tpu.memory_space<hbm>> -> memref<8x1024xf32, #tpu.memory_space<hbm>>
          tpu.wait_dma2 semaphore(%arg25 : memref<!tpu.dma_semaphore, #tpu.memory_space<semaphore_mem>>) src(%arg9 : memref<8x1024xf32, #tpu.memory_space<vmem>>) dst(%dma_wait3A_348 : memref<8x1024xf32, #tpu.memory_space<hbm>>)
        } else {
        }
        %add3A_330 = arith.constant 7 : i32
        %add3A_331 = arith.addi %add3A_223, %add3A_330 : i32
        %mul3A_332 = arith.constant 8 : i32
        %mul3A_333 = arith.muli %add3A_331, %mul3A_332 : i32
        %dma_start3A_334 = tpu.memref_slice %arg5[%mul3A_333] : memref<512xi32, #tpu.memory_space<vmem>> -> memref<8xi32, #tpu.memory_space<vmem>>
        %dma_start3A_335 = arith.constant 0 : i32
        %dma_start3A_336 = arith.constant 0 : i32
        %dma_start3A_337 = tpu.memref_slice %arg3[%dma_start3A_335, %dma_start3A_336] : memref<100000x1024xf32, #tpu.memory_space<hbm>> -> memref<100000x1024xf32, #tpu.memory_space<hbm>>
        tpu.enqueue_indirect_dma source(%dma_start3A_337 : memref<100000x1024xf32, #tpu.memory_space<hbm>>) target(%arg9 : memref<8x1024xf32, #tpu.memory_space<vmem>>) offsets(%dma_start3A_334 : memref<8xi32, #tpu.memory_space<vmem>>) semaphore(%arg17 : memref<!tpu.dma_semaphore, #tpu.memory_space<semaphore_mem>>)
      } else {
      }
      %add3A_247 = arith.constant 5 : i32
      %add3A_248 = arith.addi %add3A_124, %add3A_247 : i32
      %mul3A_249 = arith.constant 8 : i32
      %mul3A_250 = arith.muli %add3A_248, %mul3A_249 : i32
      %dma_wait3A_251 = tpu.memref_slice %arg5[%mul3A_250] : memref<512xi32, #tpu.memory_space<vmem>> -> memref<8xi32, #tpu.memory_space<vmem>>
      %dma_wait3A_252 = arith.constant 0 : i32
      %dma_wait3A_253 = arith.constant 0 : i32
      %dma_wait3A_254 = tpu.memref_slice %arg3[%dma_wait3A_252, %dma_wait3A_253] : memref<100000x1024xf32, #tpu.memory_space<hbm>> -> memref<100000x1024xf32, #tpu.memory_space<hbm>>
      tpu.wait_indirect_dma semaphore(%arg19 : memref<!tpu.dma_semaphore, #tpu.memory_space<semaphore_mem>>) src(%dma_wait3A_254 : memref<100000x1024xf32, #tpu.memory_space<hbm>>) dst(%arg11 : memref<8x1024xf32, #tpu.memory_space<vmem>>)
      %parallel_loop3A_255 = arith.constant 0 : i32
      %parallel_loop3A_256 = arith.constant 512 : i32
      %parallel_loop3A_257 = arith.constant 1 : i32
      scf.for %parallel_loop3A_322 = %parallel_loop3A_255 to %parallel_loop3A_256 step %parallel_loop3A_257  : i32 {
        %parallel_loop3A_323 = arith.constant 64 : i32
        %parallel_loop3A_324 = arith.divsi %parallel_loop3A_322, %parallel_loop3A_323 : i32
        %parallel_loop3A_325 = arith.constant 0 : i32
        %parallel_loop3A_326 = arith.cmpi sgt, %parallel_loop3A_322, %parallel_loop3A_325 : i32
        %parallel_loop3A_327 = arith.extui %parallel_loop3A_326 : i1 to i32
        %parallel_loop3A_328 = arith.constant 0 : i32
        %parallel_loop3A_329 = arith.cmpi slt, %parallel_loop3A_322, %parallel_loop3A_328 : i32
        %parallel_loop3A_330 = arith.extui %parallel_loop3A_329 : i1 to i32
        %parallel_loop3A_331 = arith.subi %parallel_loop3A_327, %parallel_loop3A_330 : i32
        %parallel_loop3A_332 = arith.constant 0 : i32
        %parallel_loop3A_333 = arith.cmpi sgt, %parallel_loop3A_323, %parallel_loop3A_332 : i32
        %parallel_loop3A_334 = arith.extui %parallel_loop3A_333 : i1 to i32
        %parallel_loop3A_335 = arith.constant 0 : i32
        %parallel_loop3A_336 = arith.cmpi slt, %parallel_loop3A_323, %parallel_loop3A_335 : i32
        %parallel_loop3A_337 = arith.extui %parallel_loop3A_336 : i1 to i32
        %parallel_loop3A_338 = arith.subi %parallel_loop3A_334, %parallel_loop3A_337 : i32
        %parallel_loop3A_339 = arith.cmpi ne, %parallel_loop3A_331, %parallel_loop3A_338 : i32
        %parallel_loop3A_340 = arith.remsi %parallel_loop3A_322, %parallel_loop3A_323 : i32
        %parallel_loop3A_341 = arith.constant 0 : i32
        %parallel_loop3A_342 = arith.cmpi ne, %parallel_loop3A_340, %parallel_loop3A_341 : i32
        %parallel_loop3A_343 = arith.andi %parallel_loop3A_339, %parallel_loop3A_342 : i1
        %parallel_loop3A_344 = arith.constant 1 : i32
        %parallel_loop3A_345 = arith.subi %parallel_loop3A_324, %parallel_loop3A_344 : i32
        %parallel_loop3A_346 = arith.select %parallel_loop3A_343, %parallel_loop3A_345, %parallel_loop3A_324 : i32
        %parallel_loop3A_347 = arith.constant 64 : i32
        %parallel_loop3A_348 = arith.constant 0 : i32
        %parallel_loop3A_349 = arith.cmpi eq, %parallel_loop3A_347, %parallel_loop3A_348 : i32
        %parallel_loop3A_350 = arith.constant 1 : i32
        %parallel_loop3A_351 = arith.select %parallel_loop3A_349, %parallel_loop3A_350, %parallel_loop3A_347 : i32
        %parallel_loop3A_352 = arith.remsi %parallel_loop3A_322, %parallel_loop3A_351 : i32
        %parallel_loop3A_353 = arith.constant 0 : i32
        %parallel_loop3A_354 = arith.cmpi ne, %parallel_loop3A_352, %parallel_loop3A_353 : i32
        %parallel_loop3A_355 = arith.constant 0 : i32
        %parallel_loop3A_356 = arith.cmpi slt, %parallel_loop3A_352, %parallel_loop3A_355 : i32
        %parallel_loop3A_357 = arith.constant 0 : i32
        %parallel_loop3A_358 = arith.cmpi slt, %parallel_loop3A_351, %parallel_loop3A_357 : i32
        %parallel_loop3A_359 = arith.xori %parallel_loop3A_356, %parallel_loop3A_358 : i1
        %parallel_loop3A_360 = arith.andi %parallel_loop3A_359, %parallel_loop3A_354 : i1
        %parallel_loop3A_361 = arith.addi %parallel_loop3A_352, %parallel_loop3A_351 : i32
        %parallel_loop3A_362 = arith.select %parallel_loop3A_360, %parallel_loop3A_361, %parallel_loop3A_352 : i32
        %parallel_loop3A_363 = arith.constant 16 : i32
        %parallel_loop3A_364 = arith.muli %parallel_loop3A_362, %parallel_loop3A_363 : i32
        %parallel_loop3A_365 = arith.index_cast %parallel_loop3A_346 : i32 to index
        %parallel_loop3A_366 = arith.index_cast %parallel_loop3A_364 : i32 to index
        %parallel_loop3A_367 = tpu.vector_load %arg11[%parallel_loop3A_365, %parallel_loop3A_366] {strides = array<i32>} : memref<8x1024xf32, #tpu.memory_space<vmem>>, vector<1x16xf32>,
        %parallel_loop3A_368 = vector.shape_cast %parallel_loop3A_367 : vector<1x16xf32> to vector<16xf32>
        %parallel_loop3A_369 = arith.constant 3.200000e+01 : f32
        %parallel_loop3A_370 = vector.broadcast %parallel_loop3A_369 : f32 to vector<16xf32>
        %parallel_loop3A_371 = arith.mulf %parallel_loop3A_368, %parallel_loop3A_370 : vector<16xf32>
        %parallel_loop3A_372 = arith.index_cast %parallel_loop3A_346 : i32 to index
        %parallel_loop3A_373 = arith.index_cast %parallel_loop3A_364 : i32 to index
        %parallel_loop3A_374 = tpu.vector_load %arg11[%parallel_loop3A_372, %parallel_loop3A_373] {strides = array<i32>} : memref<8x1024xf32, #tpu.memory_space<vmem>>, vector<1x16xf32>,
        %parallel_loop3A_375 = vector.shape_cast %parallel_loop3A_374 : vector<1x16xf32> to vector<16xf32>
        %parallel_loop3A_376 = vector.shape_cast %parallel_loop3A_371 : vector<16xf32> to vector<1x16xf32>
        tpu.vector_store %arg11[%parallel_loop3A_372, %parallel_loop3A_373], %parallel_loop3A_376 {strides = array<i32>} : memref<8x1024xf32, #tpu.memory_space<vmem>>, vector<1x16xf32>,
      } {sc.loop_unroll_factor = 8 : i64, sc.parallel_access}
      %mul3A_258 = arith.constant 8 : i32
      %mul3A_259 = arith.muli %add3A_248, %mul3A_258 : i32
      %add3A_260 = arith.addi %mul3A_2, %mul3A_259 : i32
      %dma_start3A_261 = arith.constant 0 : i32
      %dma_start3A_262 = tpu.memref_slice %arg4[%add3A_260, %dma_start3A_261] : memref<16384x1024xf32, #tpu.memory_space<hbm>> -> memref<8x1024xf32, #tpu.memory_space<hbm>>
      %dma_start3A_263 = arith.constant 0 : i32
      %dma_start3A_264 = tpu.memref_slice %arg4[%add3A_260, %dma_start3A_263] : memref<16384x1024xf32, #tpu.memory_space<hbm>> -> memref<8x1024xf32, #tpu.memory_space<hbm>>
      tpu.enqueue_dma source(%arg11 : memref<8x1024xf32, #tpu.memory_space<vmem>>) target(%dma_start3A_264 : memref<8x1024xf32, #tpu.memory_space<hbm>>) target_semaphore(%arg27 : memref<!tpu.dma_semaphore, #tpu.memory_space<semaphore_mem>>)
      %add3A_265 = arith.constant 7 : i32
      %add3A_266 = arith.addi %add3A_248, %add3A_265 : i32
      %lt3A_267 = arith.constant 64 : i32
      %lt3A_268 = arith.cmpi slt, %add3A_266, %lt3A_267 : i32
      %convert_element_type3A_269 = arith.extui %lt3A_268 : i1 to i32
      %cond3A_270 = arith.constant 0 : i32
      %cond3A_271 = arith.cmpi ne, %convert_element_type3A_269, %cond3A_270 : i32
      scf.if %cond3A_271 {
        %add3A_322 = arith.constant 7 : i32
        %add3A_323 = arith.addi %add3A_248, %add3A_322 : i32
        %sub3A_324 = arith.constant 8 : i32
        %sub3A_325 = arith.subi %add3A_323, %sub3A_324 : i32
        %ge3A = arith.constant 0 : i32
        %ge3A_326 = arith.cmpi sge, %sub3A_325, %ge3A : i32
        %convert_element_type3A_327 = arith.extui %ge3A_326 : i1 to i32
        %cond3A_328 = arith.constant 0 : i32
        %cond3A_329 = arith.cmpi ne, %convert_element_type3A_327, %cond3A_328 : i32
        scf.if %cond3A_329 {
          %add3A_338 = arith.constant 7 : i32
          %add3A_339 = arith.addi %add3A_248, %add3A_338 : i32
          %sub3A_340 = arith.constant 8 : i32
          %sub3A_341 = arith.subi %add3A_339, %sub3A_340 : i32
          %mul3A_342 = arith.constant 8 : i32
          %mul3A_343 = arith.muli %sub3A_341, %mul3A_342 : i32
          %add3A_344 = arith.addi %mul3A_2, %mul3A_343 : i32
          %dma_wait3A_345 = arith.constant 0 : i32
          %dma_wait3A_346 = tpu.memref_slice %arg4[%add3A_344, %dma_wait3A_345] : memref<16384x1024xf32, #tpu.memory_space<hbm>> -> memref<8x1024xf32, #tpu.memory_space<hbm>>
          %dma_wait3A_347 = arith.constant 0 : i32
          %dma_wait3A_348 = tpu.memref_slice %arg4[%add3A_344, %dma_wait3A_347] : memref<16384x1024xf32, #tpu.memory_space<hbm>> -> memref<8x1024xf32, #tpu.memory_space<hbm>>
          tpu.wait_dma2 semaphore(%arg26 : memref<!tpu.dma_semaphore, #tpu.memory_space<semaphore_mem>>) src(%arg10 : memref<8x1024xf32, #tpu.memory_space<vmem>>) dst(%dma_wait3A_348 : memref<8x1024xf32, #tpu.memory_space<hbm>>)
        } else {
        }
        %add3A_330 = arith.constant 7 : i32
        %add3A_331 = arith.addi %add3A_248, %add3A_330 : i32
        %mul3A_332 = arith.constant 8 : i32
        %mul3A_333 = arith.muli %add3A_331, %mul3A_332 : i32
        %dma_start3A_334 = tpu.memref_slice %arg5[%mul3A_333] : memref<512xi32, #tpu.memory_space<vmem>> -> memref<8xi32, #tpu.memory_space<vmem>>
        %dma_start3A_335 = arith.constant 0 : i32
        %dma_start3A_336 = arith.constant 0 : i32
        %dma_start3A_337 = tpu.memref_slice %arg3[%dma_start3A_335, %dma_start3A_336] : memref<100000x1024xf32, #tpu.memory_space<hbm>> -> memref<100000x1024xf32, #tpu.memory_space<hbm>>
        tpu.enqueue_indirect_dma source(%dma_start3A_337 : memref<100000x1024xf32, #tpu.memory_space<hbm>>) target(%arg10 : memref<8x1024xf32, #tpu.memory_space<vmem>>) offsets(%dma_start3A_334 : memref<8xi32, #tpu.memory_space<vmem>>) semaphore(%arg18 : memref<!tpu.dma_semaphore, #tpu.memory_space<semaphore_mem>>)
      } else {
      }
      %add3A_272 = arith.constant 6 : i32
      %add3A_273 = arith.addi %add3A_124, %add3A_272 : i32
      %mul3A_274 = arith.constant 8 : i32
      %mul3A_275 = arith.muli %add3A_273, %mul3A_274 : i32
      %dma_wait3A_276 = tpu.memref_slice %arg5[%mul3A_275] : memref<512xi32, #tpu.memory_space<vmem>> -> memref<8xi32, #tpu.memory_space<vmem>>
      %dma_wait3A_277 = arith.constant 0 : i32
      %dma_wait3A_278 = arith.constant 0 : i32
      %dma_wait3A_279 = tpu.memref_slice %arg3[%dma_wait3A_277, %dma_wait3A_278] : memref<100000x1024xf32, #tpu.memory_space<hbm>> -> memref<100000x1024xf32, #tpu.memory_space<hbm>>
      tpu.wait_indirect_dma semaphore(%arg20 : memref<!tpu.dma_semaphore, #tpu.memory_space<semaphore_mem>>) src(%dma_wait3A_279 : memref<100000x1024xf32, #tpu.memory_space<hbm>>) dst(%arg12 : memref<8x1024xf32, #tpu.memory_space<vmem>>)
      %parallel_loop3A_280 = arith.constant 0 : i32
      %parallel_loop3A_281 = arith.constant 512 : i32
      %parallel_loop3A_282 = arith.constant 1 : i32
      scf.for %parallel_loop3A_322 = %parallel_loop3A_280 to %parallel_loop3A_281 step %parallel_loop3A_282  : i32 {
        %parallel_loop3A_323 = arith.constant 64 : i32
        %parallel_loop3A_324 = arith.divsi %parallel_loop3A_322, %parallel_loop3A_323 : i32
        %parallel_loop3A_325 = arith.constant 0 : i32
        %parallel_loop3A_326 = arith.cmpi sgt, %parallel_loop3A_322, %parallel_loop3A_325 : i32
        %parallel_loop3A_327 = arith.extui %parallel_loop3A_326 : i1 to i32
        %parallel_loop3A_328 = arith.constant 0 : i32
        %parallel_loop3A_329 = arith.cmpi slt, %parallel_loop3A_322, %parallel_loop3A_328 : i32
        %parallel_loop3A_330 = arith.extui %parallel_loop3A_329 : i1 to i32
        %parallel_loop3A_331 = arith.subi %parallel_loop3A_327, %parallel_loop3A_330 : i32
        %parallel_loop3A_332 = arith.constant 0 : i32
        %parallel_loop3A_333 = arith.cmpi sgt, %parallel_loop3A_323, %parallel_loop3A_332 : i32
        %parallel_loop3A_334 = arith.extui %parallel_loop3A_333 : i1 to i32
        %parallel_loop3A_335 = arith.constant 0 : i32
        %parallel_loop3A_336 = arith.cmpi slt, %parallel_loop3A_323, %parallel_loop3A_335 : i32
        %parallel_loop3A_337 = arith.extui %parallel_loop3A_336 : i1 to i32
        %parallel_loop3A_338 = arith.subi %parallel_loop3A_334, %parallel_loop3A_337 : i32
        %parallel_loop3A_339 = arith.cmpi ne, %parallel_loop3A_331, %parallel_loop3A_338 : i32
        %parallel_loop3A_340 = arith.remsi %parallel_loop3A_322, %parallel_loop3A_323 : i32
        %parallel_loop3A_341 = arith.constant 0 : i32
        %parallel_loop3A_342 = arith.cmpi ne, %parallel_loop3A_340, %parallel_loop3A_341 : i32
        %parallel_loop3A_343 = arith.andi %parallel_loop3A_339, %parallel_loop3A_342 : i1
        %parallel_loop3A_344 = arith.constant 1 : i32
        %parallel_loop3A_345 = arith.subi %parallel_loop3A_324, %parallel_loop3A_344 : i32
        %parallel_loop3A_346 = arith.select %parallel_loop3A_343, %parallel_loop3A_345, %parallel_loop3A_324 : i32
        %parallel_loop3A_347 = arith.constant 64 : i32
        %parallel_loop3A_348 = arith.constant 0 : i32
        %parallel_loop3A_349 = arith.cmpi eq, %parallel_loop3A_347, %parallel_loop3A_348 : i32
        %parallel_loop3A_350 = arith.constant 1 : i32
        %parallel_loop3A_351 = arith.select %parallel_loop3A_349, %parallel_loop3A_350, %parallel_loop3A_347 : i32
        %parallel_loop3A_352 = arith.remsi %parallel_loop3A_322, %parallel_loop3A_351 : i32
        %parallel_loop3A_353 = arith.constant 0 : i32
        %parallel_loop3A_354 = arith.cmpi ne, %parallel_loop3A_352, %parallel_loop3A_353 : i32
        %parallel_loop3A_355 = arith.constant 0 : i32
        %parallel_loop3A_356 = arith.cmpi slt, %parallel_loop3A_352, %parallel_loop3A_355 : i32
        %parallel_loop3A_357 = arith.constant 0 : i32
        %parallel_loop3A_358 = arith.cmpi slt, %parallel_loop3A_351, %parallel_loop3A_357 : i32
        %parallel_loop3A_359 = arith.xori %parallel_loop3A_356, %parallel_loop3A_358 : i1
        %parallel_loop3A_360 = arith.andi %parallel_loop3A_359, %parallel_loop3A_354 : i1
        %parallel_loop3A_361 = arith.addi %parallel_loop3A_352, %parallel_loop3A_351 : i32
        %parallel_loop3A_362 = arith.select %parallel_loop3A_360, %parallel_loop3A_361, %parallel_loop3A_352 : i32
        %parallel_loop3A_363 = arith.constant 16 : i32
        %parallel_loop3A_364 = arith.muli %parallel_loop3A_362, %parallel_loop3A_363 : i32
        %parallel_loop3A_365 = arith.index_cast %parallel_loop3A_346 : i32 to index
        %parallel_loop3A_366 = arith.index_cast %parallel_loop3A_364 : i32 to index
        %parallel_loop3A_367 = tpu.vector_load %arg12[%parallel_loop3A_365, %parallel_loop3A_366] {strides = array<i32>} : memref<8x1024xf32, #tpu.memory_space<vmem>>, vector<1x16xf32>,
        %parallel_loop3A_368 = vector.shape_cast %parallel_loop3A_367 : vector<1x16xf32> to vector<16xf32>
        %parallel_loop3A_369 = arith.constant 3.200000e+01 : f32
        %parallel_loop3A_370 = vector.broadcast %parallel_loop3A_369 : f32 to vector<16xf32>
        %parallel_loop3A_371 = arith.mulf %parallel_loop3A_368, %parallel_loop3A_370 : vector<16xf32>
        %parallel_loop3A_372 = arith.index_cast %parallel_loop3A_346 : i32 to index
        %parallel_loop3A_373 = arith.index_cast %parallel_loop3A_364 : i32 to index
        %parallel_loop3A_374 = tpu.vector_load %arg12[%parallel_loop3A_372, %parallel_loop3A_373] {strides = array<i32>} : memref<8x1024xf32, #tpu.memory_space<vmem>>, vector<1x16xf32>,
        %parallel_loop3A_375 = vector.shape_cast %parallel_loop3A_374 : vector<1x16xf32> to vector<16xf32>
        %parallel_loop3A_376 = vector.shape_cast %parallel_loop3A_371 : vector<16xf32> to vector<1x16xf32>
        tpu.vector_store %arg12[%parallel_loop3A_372, %parallel_loop3A_373], %parallel_loop3A_376 {strides = array<i32>} : memref<8x1024xf32, #tpu.memory_space<vmem>>, vector<1x16xf32>,
      } {sc.loop_unroll_factor = 8 : i64, sc.parallel_access}
      %mul3A_283 = arith.constant 8 : i32
      %mul3A_284 = arith.muli %add3A_273, %mul3A_283 : i32
      %add3A_285 = arith.addi %mul3A_2, %mul3A_284 : i32
      %dma_start3A_286 = arith.constant 0 : i32
      %dma_start3A_287 = tpu.memref_slice %arg4[%add3A_285, %dma_start3A_286] : memref<16384x1024xf32, #tpu.memory_space<hbm>> -> memref<8x1024xf32, #tpu.memory_space<hbm>>
      %dma_start3A_288 = arith.constant 0 : i32
      %dma_start3A_289 = tpu.memref_slice %arg4[%add3A_285, %dma_start3A_288] : memref<16384x1024xf32, #tpu.memory_space<hbm>> -> memref<8x1024xf32, #tpu.memory_space<hbm>>
      tpu.enqueue_dma source(%arg12 : memref<8x1024xf32, #tpu.memory_space<vmem>>) target(%dma_start3A_289 : memref<8x1024xf32, #tpu.memory_space<hbm>>) target_semaphore(%arg28 : memref<!tpu.dma_semaphore, #tpu.memory_space<semaphore_mem>>)
      %add3A_290 = arith.constant 7 : i32
      %add3A_291 = arith.addi %add3A_273, %add3A_290 : i32
      %lt3A_292 = arith.constant 64 : i32
      %lt3A_293 = arith.cmpi slt, %add3A_291, %lt3A_292 : i32
      %convert_element_type3A_294 = arith.extui %lt3A_293 : i1 to i32
      %cond3A_295 = arith.constant 0 : i32
      %cond3A_296 = arith.cmpi ne, %convert_element_type3A_294, %cond3A_295 : i32
      scf.if %cond3A_296 {
        %add3A_322 = arith.constant 7 : i32
        %add3A_323 = arith.addi %add3A_273, %add3A_322 : i32
        %sub3A_324 = arith.constant 8 : i32
        %sub3A_325 = arith.subi %add3A_323, %sub3A_324 : i32
        %ge3A = arith.constant 0 : i32
        %ge3A_326 = arith.cmpi sge, %sub3A_325, %ge3A : i32
        %convert_element_type3A_327 = arith.extui %ge3A_326 : i1 to i32
        %cond3A_328 = arith.constant 0 : i32
        %cond3A_329 = arith.cmpi ne, %convert_element_type3A_327, %cond3A_328 : i32
        scf.if %cond3A_329 {
          %add3A_338 = arith.constant 7 : i32
          %add3A_339 = arith.addi %add3A_273, %add3A_338 : i32
          %sub3A_340 = arith.constant 8 : i32
          %sub3A_341 = arith.subi %add3A_339, %sub3A_340 : i32
          %mul3A_342 = arith.constant 8 : i32
          %mul3A_343 = arith.muli %sub3A_341, %mul3A_342 : i32
          %add3A_344 = arith.addi %mul3A_2, %mul3A_343 : i32
          %dma_wait3A_345 = arith.constant 0 : i32
          %dma_wait3A_346 = tpu.memref_slice %arg4[%add3A_344, %dma_wait3A_345] : memref<16384x1024xf32, #tpu.memory_space<hbm>> -> memref<8x1024xf32, #tpu.memory_space<hbm>>
          %dma_wait3A_347 = arith.constant 0 : i32
          %dma_wait3A_348 = tpu.memref_slice %arg4[%add3A_344, %dma_wait3A_347] : memref<16384x1024xf32, #tpu.memory_space<hbm>> -> memref<8x1024xf32, #tpu.memory_space<hbm>>
          tpu.wait_dma2 semaphore(%arg27 : memref<!tpu.dma_semaphore, #tpu.memory_space<semaphore_mem>>) src(%arg11 : memref<8x1024xf32, #tpu.memory_space<vmem>>) dst(%dma_wait3A_348 : memref<8x1024xf32, #tpu.memory_space<hbm>>)
        } else {
        }
        %add3A_330 = arith.constant 7 : i32
        %add3A_331 = arith.addi %add3A_273, %add3A_330 : i32
        %mul3A_332 = arith.constant 8 : i32
        %mul3A_333 = arith.muli %add3A_331, %mul3A_332 : i32
        %dma_start3A_334 = tpu.memref_slice %arg5[%mul3A_333] : memref<512xi32, #tpu.memory_space<vmem>> -> memref<8xi32, #tpu.memory_space<vmem>>
        %dma_start3A_335 = arith.constant 0 : i32
        %dma_start3A_336 = arith.constant 0 : i32
        %dma_start3A_337 = tpu.memref_slice %arg3[%dma_start3A_335, %dma_start3A_336] : memref<100000x1024xf32, #tpu.memory_space<hbm>> -> memref<100000x1024xf32, #tpu.memory_space<hbm>>
        tpu.enqueue_indirect_dma source(%dma_start3A_337 : memref<100000x1024xf32, #tpu.memory_space<hbm>>) target(%arg11 : memref<8x1024xf32, #tpu.memory_space<vmem>>) offsets(%dma_start3A_334 : memref<8xi32, #tpu.memory_space<vmem>>) semaphore(%arg19 : memref<!tpu.dma_semaphore, #tpu.memory_space<semaphore_mem>>)
      } else {
      }
      %add3A_297 = arith.constant 7 : i32
      %add3A_298 = arith.addi %add3A_124, %add3A_297 : i32
      %mul3A_299 = arith.constant 8 : i32
      %mul3A_300 = arith.muli %add3A_298, %mul3A_299 : i32
      %dma_wait3A_301 = tpu.memref_slice %arg5[%mul3A_300] : memref<512xi32, #tpu.memory_space<vmem>> -> memref<8xi32, #tpu.memory_space<vmem>>
      %dma_wait3A_302 = arith.constant 0 : i32
      %dma_wait3A_303 = arith.constant 0 : i32
      %dma_wait3A_304 = tpu.memref_slice %arg3[%dma_wait3A_302, %dma_wait3A_303] : memref<100000x1024xf32, #tpu.memory_space<hbm>> -> memref<100000x1024xf32, #tpu.memory_space<hbm>>
      tpu.wait_indirect_dma semaphore(%arg21 : memref<!tpu.dma_semaphore, #tpu.memory_space<semaphore_mem>>) src(%dma_wait3A_304 : memref<100000x1024xf32, #tpu.memory_space<hbm>>) dst(%arg13 : memref<8x1024xf32, #tpu.memory_space<vmem>>)
      %parallel_loop3A_305 = arith.constant 0 : i32
      %parallel_loop3A_306 = arith.constant 512 : i32
      %parallel_loop3A_307 = arith.constant 1 : i32
      scf.for %parallel_loop3A_322 = %parallel_loop3A_305 to %parallel_loop3A_306 step %parallel_loop3A_307  : i32 {
        %parallel_loop3A_323 = arith.constant 64 : i32
        %parallel_loop3A_324 = arith.divsi %parallel_loop3A_322, %parallel_loop3A_323 : i32
        %parallel_loop3A_325 = arith.constant 0 : i32
        %parallel_loop3A_326 = arith.cmpi sgt, %parallel_loop3A_322, %parallel_loop3A_325 : i32
        %parallel_loop3A_327 = arith.extui %parallel_loop3A_326 : i1 to i32
        %parallel_loop3A_328 = arith.constant 0 : i32
        %parallel_loop3A_329 = arith.cmpi slt, %parallel_loop3A_322, %parallel_loop3A_328 : i32
        %parallel_loop3A_330 = arith.extui %parallel_loop3A_329 : i1 to i32
        %parallel_loop3A_331 = arith.subi %parallel_loop3A_327, %parallel_loop3A_330 : i32
        %parallel_loop3A_332 = arith.constant 0 : i32
        %parallel_loop3A_333 = arith.cmpi sgt, %parallel_loop3A_323, %parallel_loop3A_332 : i32
        %parallel_loop3A_334 = arith.extui %parallel_loop3A_333 : i1 to i32
        %parallel_loop3A_335 = arith.constant 0 : i32
        %parallel_loop3A_336 = arith.cmpi slt, %parallel_loop3A_323, %parallel_loop3A_335 : i32
        %parallel_loop3A_337 = arith.extui %parallel_loop3A_336 : i1 to i32
        %parallel_loop3A_338 = arith.subi %parallel_loop3A_334, %parallel_loop3A_337 : i32
        %parallel_loop3A_339 = arith.cmpi ne, %parallel_loop3A_331, %parallel_loop3A_338 : i32
        %parallel_loop3A_340 = arith.remsi %parallel_loop3A_322, %parallel_loop3A_323 : i32
        %parallel_loop3A_341 = arith.constant 0 : i32
        %parallel_loop3A_342 = arith.cmpi ne, %parallel_loop3A_340, %parallel_loop3A_341 : i32
        %parallel_loop3A_343 = arith.andi %parallel_loop3A_339, %parallel_loop3A_342 : i1
        %parallel_loop3A_344 = arith.constant 1 : i32
        %parallel_loop3A_345 = arith.subi %parallel_loop3A_324, %parallel_loop3A_344 : i32
        %parallel_loop3A_346 = arith.select %parallel_loop3A_343, %parallel_loop3A_345, %parallel_loop3A_324 : i32
        %parallel_loop3A_347 = arith.constant 64 : i32
        %parallel_loop3A_348 = arith.constant 0 : i32
        %parallel_loop3A_349 = arith.cmpi eq, %parallel_loop3A_347, %parallel_loop3A_348 : i32
        %parallel_loop3A_350 = arith.constant 1 : i32
        %parallel_loop3A_351 = arith.select %parallel_loop3A_349, %parallel_loop3A_350, %parallel_loop3A_347 : i32
        %parallel_loop3A_352 = arith.remsi %parallel_loop3A_322, %parallel_loop3A_351 : i32
        %parallel_loop3A_353 = arith.constant 0 : i32
        %parallel_loop3A_354 = arith.cmpi ne, %parallel_loop3A_352, %parallel_loop3A_353 : i32
        %parallel_loop3A_355 = arith.constant 0 : i32
        %parallel_loop3A_356 = arith.cmpi slt, %parallel_loop3A_352, %parallel_loop3A_355 : i32
        %parallel_loop3A_357 = arith.constant 0 : i32
        %parallel_loop3A_358 = arith.cmpi slt, %parallel_loop3A_351, %parallel_loop3A_357 : i32
        %parallel_loop3A_359 = arith.xori %parallel_loop3A_356, %parallel_loop3A_358 : i1
        %parallel_loop3A_360 = arith.andi %parallel_loop3A_359, %parallel_loop3A_354 : i1
        %parallel_loop3A_361 = arith.addi %parallel_loop3A_352, %parallel_loop3A_351 : i32
        %parallel_loop3A_362 = arith.select %parallel_loop3A_360, %parallel_loop3A_361, %parallel_loop3A_352 : i32
        %parallel_loop3A_363 = arith.constant 16 : i32
        %parallel_loop3A_364 = arith.muli %parallel_loop3A_362, %parallel_loop3A_363 : i32
        %parallel_loop3A_365 = arith.index_cast %parallel_loop3A_346 : i32 to index
        %parallel_loop3A_366 = arith.index_cast %parallel_loop3A_364 : i32 to index
        %parallel_loop3A_367 = tpu.vector_load %arg13[%parallel_loop3A_365, %parallel_loop3A_366] {strides = array<i32>} : memref<8x1024xf32, #tpu.memory_space<vmem>>, vector<1x16xf32>,
        %parallel_loop3A_368 = vector.shape_cast %parallel_loop3A_367 : vector<1x16xf32> to vector<16xf32>
        %parallel_loop3A_369 = arith.constant 3.200000e+01 : f32
        %parallel_loop3A_370 = vector.broadcast %parallel_loop3A_369 : f32 to vector<16xf32>
        %parallel_loop3A_371 = arith.mulf %parallel_loop3A_368, %parallel_loop3A_370 : vector<16xf32>
        %parallel_loop3A_372 = arith.index_cast %parallel_loop3A_346 : i32 to index
        %parallel_loop3A_373 = arith.index_cast %parallel_loop3A_364 : i32 to index
        %parallel_loop3A_374 = tpu.vector_load %arg13[%parallel_loop3A_372, %parallel_loop3A_373] {strides = array<i32>} : memref<8x1024xf32, #tpu.memory_space<vmem>>, vector<1x16xf32>,
        %parallel_loop3A_375 = vector.shape_cast %parallel_loop3A_374 : vector<1x16xf32> to vector<16xf32>
        %parallel_loop3A_376 = vector.shape_cast %parallel_loop3A_371 : vector<16xf32> to vector<1x16xf32>
        tpu.vector_store %arg13[%parallel_loop3A_372, %parallel_loop3A_373], %parallel_loop3A_376 {strides = array<i32>} : memref<8x1024xf32, #tpu.memory_space<vmem>>, vector<1x16xf32>,
      } {sc.loop_unroll_factor = 8 : i64, sc.parallel_access}
      %mul3A_308 = arith.constant 8 : i32
      %mul3A_309 = arith.muli %add3A_298, %mul3A_308 : i32
      %add3A_310 = arith.addi %mul3A_2, %mul3A_309 : i32
      %dma_start3A_311 = arith.constant 0 : i32
      %dma_start3A_312 = tpu.memref_slice %arg4[%add3A_310, %dma_start3A_311] : memref<16384x1024xf32, #tpu.memory_space<hbm>> -> memref<8x1024xf32, #tpu.memory_space<hbm>>
      %dma_start3A_313 = arith.constant 0 : i32
      %dma_start3A_314 = tpu.memref_slice %arg4[%add3A_310, %dma_start3A_313] : memref<16384x1024xf32, #tpu.memory_space<hbm>> -> memref<8x1024xf32, #tpu.memory_space<hbm>>
      tpu.enqueue_dma source(%arg13 : memref<8x1024xf32, #tpu.memory_space<vmem>>) target(%dma_start3A_314 : memref<8x1024xf32, #tpu.memory_space<hbm>>) target_semaphore(%arg29 : memref<!tpu.dma_semaphore, #tpu.memory_space<semaphore_mem>>)
      %add3A_315 = arith.constant 7 : i32
      %add3A_316 = arith.addi %add3A_298, %add3A_315 : i32
      %lt3A_317 = arith.constant 64 : i32
      %lt3A_318 = arith.cmpi slt, %add3A_316, %lt3A_317 : i32
      %convert_element_type3A_319 = arith.extui %lt3A_318 : i1 to i32
      %cond3A_320 = arith.constant 0 : i32
      %cond3A_321 = arith.cmpi ne, %convert_element_type3A_319, %cond3A_320 : i32
      scf.if %cond3A_321 {
        %add3A_322 = arith.constant 7 : i32
        %add3A_323 = arith.addi %add3A_298, %add3A_322 : i32
        %sub3A_324 = arith.constant 8 : i32
        %sub3A_325 = arith.subi %add3A_323, %sub3A_324 : i32
        %ge3A = arith.constant 0 : i32
        %ge3A_326 = arith.cmpi sge, %sub3A_325, %ge3A : i32
        %convert_element_type3A_327 = arith.extui %ge3A_326 : i1 to i32
        %cond3A_328 = arith.constant 0 : i32
        %cond3A_329 = arith.cmpi ne, %convert_element_type3A_327, %cond3A_328 : i32
        scf.if %cond3A_329 {
          %add3A_338 = arith.constant 7 : i32
          %add3A_339 = arith.addi %add3A_298, %add3A_338 : i32
          %sub3A_340 = arith.constant 8 : i32
          %sub3A_341 = arith.subi %add3A_339, %sub3A_340 : i32
          %mul3A_342 = arith.constant 8 : i32
          %mul3A_343 = arith.muli %sub3A_341, %mul3A_342 : i32
          %add3A_344 = arith.addi %mul3A_2, %mul3A_343 : i32
          %dma_wait3A_345 = arith.constant 0 : i32
          %dma_wait3A_346 = tpu.memref_slice %arg4[%add3A_344, %dma_wait3A_345] : memref<16384x1024xf32, #tpu.memory_space<hbm>> -> memref<8x1024xf32, #tpu.memory_space<hbm>>
          %dma_wait3A_347 = arith.constant 0 : i32
          %dma_wait3A_348 = tpu.memref_slice %arg4[%add3A_344, %dma_wait3A_347] : memref<16384x1024xf32, #tpu.memory_space<hbm>> -> memref<8x1024xf32, #tpu.memory_space<hbm>>
          tpu.wait_dma2 semaphore(%arg28 : memref<!tpu.dma_semaphore, #tpu.memory_space<semaphore_mem>>) src(%arg12 : memref<8x1024xf32, #tpu.memory_space<vmem>>) dst(%dma_wait3A_348 : memref<8x1024xf32, #tpu.memory_space<hbm>>)
        } else {
        }
        %add3A_330 = arith.constant 7 : i32
        %add3A_331 = arith.addi %add3A_298, %add3A_330 : i32
        %mul3A_332 = arith.constant 8 : i32
        %mul3A_333 = arith.muli %add3A_331, %mul3A_332 : i32
        %dma_start3A_334 = tpu.memref_slice %arg5[%mul3A_333] : memref<512xi32, #tpu.memory_space<vmem>> -> memref<8xi32, #tpu.memory_space<vmem>>
        %dma_start3A_335 = arith.constant 0 : i32
        %dma_start3A_336 = arith.constant 0 : i32
        %dma_start3A_337 = tpu.memref_slice %arg3[%dma_start3A_335, %dma_start3A_336] : memref<100000x1024xf32, #tpu.memory_space<hbm>> -> memref<100000x1024xf32, #tpu.memory_space<hbm>>
        tpu.enqueue_indirect_dma source(%dma_start3A_337 : memref<100000x1024xf32, #tpu.memory_space<hbm>>) target(%arg12 : memref<8x1024xf32, #tpu.memory_space<vmem>>) offsets(%dma_start3A_334 : memref<8xi32, #tpu.memory_space<vmem>>) semaphore(%arg20 : memref<!tpu.dma_semaphore, #tpu.memory_space<semaphore_mem>>)
      } else {
      }
    }
    %scan3A_72 = arith.constant 8 : i32
    %add3A_73 = arith.constant 448 : i32
    %add3A_74 = arith.addi %mul3A_2, %add3A_73 : i32
    %dma_wait3A = arith.constant 0 : i32
    %dma_wait3A_75 = tpu.memref_slice %arg4[%add3A_74, %dma_wait3A] : memref<16384x1024xf32, #tpu.memory_space<hbm>> -> memref<8x1024xf32, #tpu.memory_space<hbm>>
    %dma_wait3A_76 = arith.constant 0 : i32
    %dma_wait3A_77 = tpu.memref_slice %arg4[%add3A_74, %dma_wait3A_76] : memref<16384x1024xf32, #tpu.memory_space<hbm>> -> memref<8x1024xf32, #tpu.memory_space<hbm>>
    tpu.wait_dma2 semaphore(%arg22 : memref<!tpu.dma_semaphore, #tpu.memory_space<semaphore_mem>>) src(%arg6 : memref<8x1024xf32, #tpu.memory_space<vmem>>) dst(%dma_wait3A_77 : memref<8x1024xf32, #tpu.memory_space<hbm>>)
    %add3A_78 = arith.constant 456 : i32
    %add3A_79 = arith.addi %mul3A_2, %add3A_78 : i32
    %dma_wait3A_80 = arith.constant 0 : i32
    %dma_wait3A_81 = tpu.memref_slice %arg4[%add3A_79, %dma_wait3A_80] : memref<16384x1024xf32, #tpu.memory_space<hbm>> -> memref<8x1024xf32, #tpu.memory_space<hbm>>
    %dma_wait3A_82 = arith.constant 0 : i32
    %dma_wait3A_83 = tpu.memref_slice %arg4[%add3A_79, %dma_wait3A_82] : memref<16384x1024xf32, #tpu.memory_space<hbm>> -> memref<8x1024xf32, #tpu.memory_space<hbm>>
    tpu.wait_dma2 semaphore(%arg23 : memref<!tpu.dma_semaphore, #tpu.memory_space<semaphore_mem>>) src(%arg7 : memref<8x1024xf32, #tpu.memory_space<vmem>>) dst(%dma_wait3A_83 : memref<8x1024xf32, #tpu.memory_space<hbm>>)
    %add3A_84 = arith.constant 464 : i32
    %add3A_85 = arith.addi %mul3A_2, %add3A_84 : i32
    %dma_wait3A_86 = arith.constant 0 : i32
    %dma_wait3A_87 = tpu.memref_slice %arg4[%add3A_85, %dma_wait3A_86] : memref<16384x1024xf32, #tpu.memory_space<hbm>> -> memref<8x1024xf32, #tpu.memory_space<hbm>>
    %dma_wait3A_88 = arith.constant 0 : i32
    %dma_wait3A_89 = tpu.memref_slice %arg4[%add3A_85, %dma_wait3A_88] : memref<16384x1024xf32, #tpu.memory_space<hbm>> -> memref<8x1024xf32, #tpu.memory_space<hbm>>
    tpu.wait_dma2 semaphore(%arg24 : memref<!tpu.dma_semaphore, #tpu.memory_space<semaphore_mem>>) src(%arg8 : memref<8x1024xf32, #tpu.memory_space<vmem>>) dst(%dma_wait3A_89 : memref<8x1024xf32, #tpu.memory_space<hbm>>)
    %add3A_90 = arith.constant 472 : i32
    %add3A_91 = arith.addi %mul3A_2, %add3A_90 : i32
    %dma_wait3A_92 = arith.constant 0 : i32
    %dma_wait3A_93 = tpu.memref_slice %arg4[%add3A_91, %dma_wait3A_92] : memref<16384x1024xf32, #tpu.memory_space<hbm>> -> memref<8x1024xf32, #tpu.memory_space<hbm>>
    %dma_wait3A_94 = arith.constant 0 : i32
    %dma_wait3A_95 = tpu.memref_slice %arg4[%add3A_91, %dma_wait3A_94] : memref<16384x1024xf32, #tpu.memory_space<hbm>> -> memref<8x1024xf32, #tpu.memory_space<hbm>>
    tpu.wait_dma2 semaphore(%arg25 : memref<!tpu.dma_semaphore, #tpu.memory_space<semaphore_mem>>) src(%arg9 : memref<8x1024xf32, #tpu.memory_space<vmem>>) dst(%dma_wait3A_95 : memref<8x1024xf32, #tpu.memory_space<hbm>>)
    %add3A_96 = arith.constant 480 : i32
    %add3A_97 = arith.addi %mul3A_2, %add3A_96 : i32
    %dma_wait3A_98 = arith.constant 0 : i32
    %dma_wait3A_99 = tpu.memref_slice %arg4[%add3A_97, %dma_wait3A_98] : memref<16384x1024xf32, #tpu.memory_space<hbm>> -> memref<8x1024xf32, #tpu.memory_space<hbm>>
    %dma_wait3A_100 = arith.constant 0 : i32
    %dma_wait3A_101 = tpu.memref_slice %arg4[%add3A_97, %dma_wait3A_100] : memref<16384x1024xf32, #tpu.memory_space<hbm>> -> memref<8x1024xf32, #tpu.memory_space<hbm>>
    tpu.wait_dma2 semaphore(%arg26 : memref<!tpu.dma_semaphore, #tpu.memory_space<semaphore_mem>>) src(%arg10 : memref<8x1024xf32, #tpu.memory_space<vmem>>) dst(%dma_wait3A_101 : memref<8x1024xf32, #tpu.memory_space<hbm>>)
    %add3A_102 = arith.constant 488 : i32
    %add3A_103 = arith.addi %mul3A_2, %add3A_102 : i32
    %dma_wait3A_104 = arith.constant 0 : i32
    %dma_wait3A_105 = tpu.memref_slice %arg4[%add3A_103, %dma_wait3A_104] : memref<16384x1024xf32, #tpu.memory_space<hbm>> -> memref<8x1024xf32, #tpu.memory_space<hbm>>
    %dma_wait3A_106 = arith.constant 0 : i32
    %dma_wait3A_107 = tpu.memref_slice %arg4[%add3A_103, %dma_wait3A_106] : memref<16384x1024xf32, #tpu.memory_space<hbm>> -> memref<8x1024xf32, #tpu.memory_space<hbm>>
    tpu.wait_dma2 semaphore(%arg27 : memref<!tpu.dma_semaphore, #tpu.memory_space<semaphore_mem>>) src(%arg11 : memref<8x1024xf32, #tpu.memory_space<vmem>>) dst(%dma_wait3A_107 : memref<8x1024xf32, #tpu.memory_space<hbm>>)
    %add3A_108 = arith.constant 496 : i32
    %add3A_109 = arith.addi %mul3A_2, %add3A_108 : i32
    %dma_wait3A_110 = arith.constant 0 : i32
    %dma_wait3A_111 = tpu.memref_slice %arg4[%add3A_109, %dma_wait3A_110] : memref<16384x1024xf32, #tpu.memory_space<hbm>> -> memref<8x1024xf32, #tpu.memory_space<hbm>>
    %dma_wait3A_112 = arith.constant 0 : i32
    %dma_wait3A_113 = tpu.memref_slice %arg4[%add3A_109, %dma_wait3A_112] : memref<16384x1024xf32, #tpu.memory_space<hbm>> -> memref<8x1024xf32, #tpu.memory_space<hbm>>
    tpu.wait_dma2 semaphore(%arg28 : memref<!tpu.dma_semaphore, #tpu.memory_space<semaphore_mem>>) src(%arg12 : memref<8x1024xf32, #tpu.memory_space<vmem>>) dst(%dma_wait3A_113 : memref<8x1024xf32, #tpu.memory_space<hbm>>)
    %add3A_114 = arith.constant 504 : i32
    %add3A_115 = arith.addi %mul3A_2, %add3A_114 : i32
    %dma_wait3A_116 = arith.constant 0 : i32
    %dma_wait3A_117 = tpu.memref_slice %arg4[%add3A_115, %dma_wait3A_116] : memref<16384x1024xf32, #tpu.memory_space<hbm>> -> memref<8x1024xf32, #tpu.memory_space<hbm>>
    %dma_wait3A_118 = arith.constant 0 : i32
    %dma_wait3A_119 = tpu.memref_slice %arg4[%add3A_115, %dma_wait3A_118] : memref<16384x1024xf32, #tpu.memory_space<hbm>> -> memref<8x1024xf32, #tpu.memory_space<hbm>>
    tpu.wait_dma2 semaphore(%arg29 : memref<!tpu.dma_semaphore, #tpu.memory_space<semaphore_mem>>) src(%arg13 : memref<8x1024xf32, #tpu.memory_space<vmem>>) dst(%dma_wait3A_119 : memref<8x1024xf32, #tpu.memory_space<hbm>>)
    return
  }
}

</mosaic_0001>

<sc_bundles>
// kernel: kernel.3.cloned.1.call-start
scs
__scs_entry_jumppad:
0x0: {  	(pc) =	sbr.rel $0x88, $3  }
0x1: {  	(tag) =	ssettag $0x0;
	lr =	simm.s32 $0x1  }
0x2: {  	[smem:$0x3F9F] =	sst lr;
	_ =	strace $0xD0000000  }
0x3: {  	_ = 	snop  }
0x4: {  	_ = 	snop  }
0x5: {  	_ = 	snop  }
0x6: {  	_ = 	snop  }
0x7: {  	_ = 	snop  }
__scs_overlays_trampoline_lowered:
0x8: {  	[smem:$0x3FAE] =	sst s0  }
0x9: {  	[smem:$0x3FAF] =	sst s1  }
0xa: {  	[smem:$0x3FB0] =	sst s2  }
0xb: {  	[smem:$0x3FB1] =	sst s3  }
0xc: {  	[smem:$0x3FB2] =	sst s4  }
0xd: {  	[smem:$0x3FB3] =	sst s5  }
0xe: {  	[smem:$0x3FB4] =	sst s6  }
0xf: {  	[smem:$0x3FB5] =	sst s7  }
0x10: {  	[smem:$0x3FB6] =	sst s8  }
0x11: {  	[smem:$0x3FB7] =	sst s9;
	s0 =	simm.s32 @!p0 $0x0  }
0x12: {  	s1 =	sld [smem:$0x3F9D];
	s0 =	simm.s32 @p0 $0x1  }
0x13: {  	[smem:$0x3FB8] =	sst s0;
	s0 =	simm.s32 @!p1 $0x0  }
0x14: {  	s2 =	sld [smem:$0x3F9C];
	s0 =	simm.s32 @p1 $0x1  }
0x15: {  	[smem:$0x3FB9] =	sst s0;
	s0 =	simm.s32 @!p2 $0x0  }
0x16: {  	s3 =	sld [smem:$0x3FDB];
	s0 =	simm.s32 @p2 $0x1  }
0x17: {  	s4 =	simm.s32 $0x1BF5;
	[smem:$0x3FBB] =	sst s0  }
0x18: {  	s0 =	sld [smem:$0x3F9E];
	_ =	swait.ge [sflag:s4], $0x0  }
0x19: {  	s7 =	sld [smem:$0x3F9F]  }
0x1a: {  	s8 =	sadd.s32 $0xFFFFE003, lr  }
0x1b: {  	s9 =	sadd.s32 $0xFFFFFEF7, lr;
	s5 =	simm.s32 $0xFFFFFFFF;
	p2 =	slt.u32 s8, $0xFFFFF086  }
0x1c: {  	p1 =	slt.u32 s9, $0xF7A;
	s5 =	simm.s32 @!p2 $0x0  }
0x1d: {  	s5 =	simm.s32 @p1 $0x1;
	p0 =	seq.s32 s7, s2  }
0x1e: {  	s7 =	smul.u32 @!p0 $0xF7A, s2;
	p2 =	seq.s32 @!p0 s5, $0x0  }
0x1f: {  	s9 =	smul.u32 $0xF7A, s1;
	s8 =	simm.s32 @!p0 $0x1BF5;
	p2 =	por !p2, p0  }
0x20: {  	[sflag:s8] =	ssyncset.s32 @!p0 $0xFFFFF086;
	s6 =	sadd.s32 @!p0 s3, s7;
	s7 =	simm.s32 @!p0 $0x108  }
0x21: {  	s3 =	sadd.s32 s3, s9;
	s6 =	sadd.s32 @!p0 $0x88, s6;
	s7 =	simm.s32 @p2 $0x1082  }
0x22: {  	[simem:s7], [sflag:s8] =	dma.local @!p0 [hbm:s6], $0xF7A  }
0x23: {  	s9 =	sor.u32 $0xD0000000, s2;
	s6 =	simm.s32 $0x108;
	_ =	swait.ge @!p0 [sflag:s8], $0x0  }
0x24: {  	s3 =	sadd.s32 $0x88, s3;
	s6 =	simm.s32 @!p1 $0x1082;
	[sflag:s4] =	ssyncset.s32 $0xFFFFF086  }
0x25: {  	[simem:s6], [sflag:s4] =	dma.local [hbm:s3], $0xF7A  }
0x26: {  	[smem:$0x3F9F] =	sst s1;
	(tag) =	ssettag s2;
	_ =	strace s9  }
0x27: {  	s1 =	sld [smem:$0x3FAF]  }
0x28: {  	s2 =	sld [smem:$0x3FB0]  }
0x29: {  	s4 =	sld [smem:$0x3FB2]  }
0x2a: {  	p0 =	seq.s32 s5, $0x0;
	s5 =	sld [smem:$0x3FB3]  }
0x2b: {  	s6 =	sld [smem:$0x3FB4]  }
0x2c: {  	s7 =	sld [smem:$0x3FB5]  }
0x2d: {  	s3 =	simm.s32 $0x108;
	s8 =	sld [smem:$0x3FB6]  }
0x2e: {  	s3 =	simm.s32 @!p0 $0x1082;
	s9 =	sld [smem:$0x3FB7]  }
0x2f: {  	lr =	sadd.s32 s0, s3;
	s0 =	sld [smem:$0x3FAE]  }
0x30: {  	s3 =	sld [smem:$0x3FB1]  }
0x31: {  	[smem:$0x3FBA] =	sst s10  }
0x32: {  	s10 =	sld [smem:$0x3FB8];
	_ =	sdelay $0x3  }
0x33: {  	p0 =	seq.s32 s10, $0x1;
	s10 =	sld [smem:$0x3FBA];
	_ =	sdelay $0x3  }
0x34: {  	[smem:$0x3FBA] =	sst s10  }
0x35: {  	s10 =	sld [smem:$0x3FB9];
	_ =	sdelay $0x3  }
0x36: {  	p1 =	seq.s32 s10, $0x1;
	s10 =	sld [smem:$0x3FBA];
	_ =	sdelay $0x3  }
0x37: {  	[smem:$0x3FBA] =	sst s10  }
0x38: {  	s10 =	sld [smem:$0x3FBB]  }
0x39: {  	_ = 	snop;
	(pc) =	sbr.ind lr, $3  }
0x3a: {  	_ = 	snop  }
0x3b: {  	_ = 	snop  }
0x3c: {  	p2 =	seq.s32 s10, $0x1;
	s10 =	sld [smem:$0x3FBA]  }
0x3d: {  	_ =	shalt  }
0x3e: {  	_ =	shalt  }
0x3f: {  	_ =	shalt  }
0x40: {  	_ =	shalt  }
0x41: {  	_ =	shalt  }
0x42: {  	_ =	shalt  }
0x43: {  	_ =	shalt  }
0x44: {  	_ =	shalt  }
0x45: {  	_ =	shalt  }
0x46: {  	_ =	shalt  }
0x47: {  	_ =	shalt  }
0x48: {  	_ =	shalt  }
0x49: {  	_ =	shalt  }
0x4a: {  	_ =	shalt  }
0x4b: {  	_ =	shalt  }
0x4c: {  	_ =	shalt  }
0x4d: {  	_ =	shalt  }
0x4e: {  	_ =	shalt  }
0x4f: {  	_ =	shalt  }
0x50: {  	_ =	shalt  }
0x51: {  	_ =	shalt  }
0x52: {  	_ =	shalt  }
0x53: {  	_ =	shalt  }
0x54: {  	_ =	shalt  }
0x55: {  	_ =	shalt  }
0x56: {  	_ =	shalt  }
0x57: {  	_ =	shalt  }
0x58: {  	_ =	shalt  }
0x59: {  	_ =	shalt  }
0x5a: {  	_ =	shalt  }
0x5b: {  	_ =	shalt  }
0x5c: {  	_ =	shalt  }
0x5d: {  	_ =	shalt  }
0x5e: {  	_ =	shalt  }
0x5f: {  	_ =	shalt  }
0x60: {  	_ =	shalt  }
0x61: {  	_ =	shalt  }
0x62: {  	_ =	shalt  }
0x63: {  	_ =	shalt  }
0x64: {  	_ =	shalt  }
0x65: {  	_ =	shalt  }
0x66: {  	_ =	shalt  }
0x67: {  	_ =	shalt  }
0x68: {  	_ =	shalt  }
0x69: {  	_ =	shalt  }
0x6a: {  	_ =	shalt  }
0x6b: {  	_ =	shalt  }
0x6c: {  	_ =	shalt  }
0x6d: {  	_ =	shalt  }
0x6e: {  	_ =	shalt  }
0x6f: {  	_ =	shalt  }
0x70: {  	_ =	shalt  }
0x71: {  	_ =	shalt  }
0x72: {  	_ =	shalt  }
0x73: {  	_ =	shalt  }
0x74: {  	_ =	shalt  }
0x75: {  	_ =	shalt  }
0x76: {  	_ =	shalt  }
0x77: {  	_ =	shalt  }
0x78: {  	_ =	shalt  }
0x79: {  	_ =	shalt  }
0x7a: {  	_ =	shalt  }
0x7b: {  	_ =	shalt  }
0x7c: {  	_ =	shalt  }
0x7d: {  	_ =	shalt  }
0x7e: {  	_ =	shalt  }
0x7f: {  	_ =	shalt  }
0x80: {  	_ =	shalt  }
0x81: {  	_ =	shalt  }
0x82: {  	_ =	shalt  }
0x83: {  	_ =	shalt  }
0x84: {  	_ =	shalt  }
0x85: {  	_ =	shalt  }
0x86: {  	_ =	shalt  }
0x87: {  	_ =	shalt  }
.Lfunc_end0:
.L_simem_size_0:
called_computation_lowered:
.L_overlay_start_0:
0x88: {  	s2 =	sld [smem:$0x3FD9]  }
0x89: {  	s3 =	sld [smem:$0x3FFE];
	_ =	sdelay $0x1  }
0x8a: {  	s1 =	srdreg.scid  }
0x8b: {  	s0 =	sand.u32 $0x1, s1  }
0x8c: {  	s18 =	sshll.u32 s0, $0xA;
	s2 =	sadd.s32 s3, s2  }
0x8d: {  	s2 =	sadd.s32 s2, s18  }
0x8e: {  	[smem:$0x3FC6] =	sst s2  }
0x8f: {  	_ = 	snop  }
0x90: {  	s2 =	sld [smem:$0x3FC9]  }
0x91: {  	s19 =	sld [smem:$0x3FC8]  }
0x92: {  	s4 =	sld [smem:$0x3FD0];
	(tm) =	ssettm $0x1  }
0x93: {  	s5 =	sld [smem:$0x3FFB];
	_ =	sdelay $0x3  }
0x94: {  	_ =	strace s5  }
0x95: {  	s5 =	sld [smem:$0x3FFC];
	_ =	sdelay $0x3  }
0x96: {  	_ =	strace s5  }
0x97: {  	s5 =	sld [smem:$0x3FFD];
	_ =	sdelay $0x3  }
0x98: {  	_ =	strace s5  }
0x99: {  	_ =	strace $0x8FFFFFFF  }
0x9a: {  	s20 =	sld [smem:$0x3FDB];
	_ =	sdelay $0x1  }
0x9b: {  	s6 =	simm.s32 $_scs_section_size  }
0x9c: {  	s7 =	simm.s32 $_size__tile_overlayer_lowered;
	s8 =	simm.s32 $_tile_overlayer_lowered  }
0x9d: {  	s23 =	simm.s32 $0x1BFF;
	s22 =	sshll.u32 s8, $0x1;
	s5 =	sadd.s32 s6, s20  }
0x9e: {  	s9 =	simm.s32 $0x0;
	s21 =	sshll.u32 s7, $0x1;
	s7 =	sadd.s32 s22, s5  }
0x9f: {  	[timem:s9], [sflag:s23] =	dma.local [hbm:s7], s21  }
0xa0: {  	_ =	swait.ge [sflag:s23], s21  }
0xa1: {  	s6 =	ssub.s32 $0x0, s21;
	[sflag:s23] =	ssyncset.done $0x0  }
0xa2: {  	[sflag:s23] =	ssyncadd.s32 s6;
	_ =	sdelay $0x1  }
0xa3: {  	s24 =	simm.s32 $0x1B8B  }
0xa4: {  	_ =	swait.ge [sflag:s24], $0x1  }
0xa5: {  	[sflag:s24] =	ssyncset.done $0x0  }
0xa6: {  	s25 =	simm.s32 $0x1B8E;
	[sflag:s24] =	ssyncadd.s32 $0xFFFFFFFF  }
0xa7: {  	s26 =	simm.s32 $execute0_lowered;
	[smem:$0x3FD2] =	sst s25  }
0xa8: {  	s6 =	sshll.u32 s26, $0x1;
	_ =	strace $0x80000046;
	[dreg:$0x1] =	wrdreg $0xFFFFFFFF  }
0xa9: {  	s28 =	simm.s32 $_size_execute0_lowered;
	s5 =	sadd.s32 s5, s6;
	[dreg:$0x0] =	wrdreg $0x0  }
0xaa: {  	s6 =	sshll.u32 s28, $0x1;
	[dreg:$0x2] =	wrdreg s5  }
0xab: {  	[dreg:$0x3] =	wrdreg s6  }
0xac: {  	[dreg:$0x4] =	wrdreg $0xC0  }
0xad: {  	_ =	task [dreg:s9], $0x5FFFF  }
0xae: {  	[dreg:$0x1] =	wrdreg $0xFFFFFFFF  }
0xaf: {  	[dreg:$0x0] =	wrdreg $0x60  }
0xb0: {  	[dreg:$0x2] =	wrdreg s2  }
0xb1: {  	[dreg:$0x3] =	wrdreg s19  }
0xb2: {  	[dreg:$0x4] =	wrdreg s4  }
0xb3: {  	[dreg:$0x5] =	wrdreg $0x9  }
0xb4: {  	_ =	task.clear_ibuf [dreg:s9], $0x6FFFF;
	_ =	strace $0x90000046  }
0xb5: {  	s29 =	simm.s32 $0x9;
	_ =	strace $0x80000048  }
0xb6: {  	_ =	swait.ge [sflag:s29], $0x1  }
0xb7: {  	[sflag:s29] =	ssyncadd.s32 $0xFFFFFFFF  }
0xb8: {  	_ =	strace $0x90000048  }
0xb9: {  	_ =	sfence  }
0xba: {  	s30 =	sld [smem:$0x0];
	_ =	sdelay $0x2  }
0xbb: {  	s31 =	sshll.u32 s1, $0xD;
	s1 =	sshrl.u32 s1, $0x2  }
0xbc: {  	s3 =	sand.u32 $0x4000, s31;
	s1 =	sadd.s32 s1, s30  }
0xbd: {  	s0 =	sor.u32 s3, s0;
	s1 =	sshll.u32 s1, $0x11  }
0xbe: {  	s0 =	sor.u32 s1, s0  }
0xbf: {  	s0 =	sadd.s32 $0x8F2B, s0  }
0xc0: {  	[sflag:s0] =	ssyncadd.remote.s32 $0x1  }
0xc1: {  	_ =	sfence.sel $0xFFFF  }
0xc2: {  	[dreg:$0x0] =	wrdreg $0xFFFFFFFF;
	(pc) =	sbr.abs _section_cstart, $3  }
0xc3: {  	[dreg:$0x1] =	wrdreg $0xFFFFFFFF  }
0xc4: {  	_ =	task.clear_ibuf [dreg:s9], $0x2FFFF;
	_ =	strace $0x9FFFFFFF  }
0xc5: {  	(tm) =	ssettm $0x7FFFFFFF  }
tec
execute0_lowered:
.L_overlay_start_1:
0x0: {  	(tag) =	ssettag $0x1  }
0x1: {  	s0 =	rddreg [dreg:$0x0]  }
0x2: {  	s2 =	rddreg [dreg:$0x1]  }
0x3: {  	s1 =	rddreg [dreg:$0x2]  }
0x4: {  	s4 =	srdreg.scid;
	s6 =	stileid.u32  }
0x5: {  	s3 =	simm.s32 $0x0;
	s11 =	simm.s32 $0x200;
	s29 =	simm.s32 $0x8200  }
0x6: {  	s15 =	simm.s32 $0xC200;
	s21 =	simm.s32 $0x1;
	s22 =	simm.s32 $0xE200  }
0x7: {  	s28 =	simm.s32 $0x2;
	s30 =	simm.s32 $0x3;
	s31 =	simm.s32 $0x4  }
0x8: {  	s10 =	simm.s32 $0x6;
	s13 =	simm.s32 $0x7;
	s14 =	simm.s32 $0x8  }
0x9: {  	s16 =	simm.s32 $0x0;
	s4 =	sand.u32 $0x1, s4;
	s5 =	sshll.u32 s6, $0x1  }
0xa: {  	[smem:$0x7FF] =	sst s3;
	s23 =	sshll.u32 s6, $0x2;
	s7 =	sor.u32 s4, s5  }
0xb: {  	s4 =	ssub.s32 $0x2, s4;
	s5 =	sand.u32 $0x30, s23;
	_ =	strace $0x80000047  }
0xc: {  	s24 =	sshll.u32 s7, $0x8;
	s8 =	sshrl.u32 s4, $0x1;
	s0 =	sadd.s32 s0, s5  }
.Ltmp0:
0xd: {  	s5 =	sadd.s32 $0x100, s2;
	s25 =	sshll.u32 s7, $0x10;
	(pc) =	sbr.rel .LBB2_1-.Ltmp0, $4  }
0xe: {  	s7 =	sadd.s32 $0x300, s2;
	s6 =	sand.u32 $0x700, s24;
	s4 =	ssub.s32 s4, s8  }
0xf: {  	v0 =	vlaneseq.u32;
	s8 =	sadd.s32 s1, s25;
	s1 =	simm.s32 $0xA200;
	s0 =	sadd.s32 s6, s0  }
0x10: {  	v1 =	vshrl.u32 v0, $0x3;
	s6 =	sadd.s32 $0x200, s2;
	s26 =	smax.u32 s4, $0x1;
	[dreg:$0x4] =	wrdreg s0  }
0x11: {  	vm0 =	vmmov $0xffff;
	v0 =	vand.u32 $0x7, v0;
	v1 =	vmul.u32 $0x8, v1;
	s4 =	simm.s32 $0xF;
	[dreg:$0x5] =	wrdreg s26;
	s0 =	simm.s32 $0x5  }
.LBB2_20:
0x12: {  	s9 =	simm.s32 $0x9  }
0x13: {  	_ =	swait.ge [sflag:s9], $0x2000  }
0x14: {  	[sflag:s9] =	ssyncset.done $0x0  }
0x15: {  	s19 =	simm.s32 $0xA;
	[sflag:s9] =	ssyncadd.s32 $0xFFFFE000  }
0x16: {  	_ =	swait.ge [sflag:s19], $0x2000  }
0x17: {  	[sflag:s19] =	ssyncset.done $0x0  }
0x18: {  	s20 =	simm.s32 $0xB;
	[sflag:s19] =	ssyncadd.s32 $0xFFFFE000  }
0x19: {  	_ =	swait.ge [sflag:s20], $0x2000  }
0x1a: {  	[sflag:s20] =	ssyncset.done $0x0  }
0x1b: {  	s23 =	simm.s32 $0xC;
	[sflag:s20] =	ssyncadd.s32 $0xFFFFE000  }
0x1c: {  	_ =	swait.ge [sflag:s23], $0x2000  }
0x1d: {  	[sflag:s23] =	ssyncset.done $0x0  }
0x1e: {  	s24 =	simm.s32 $0xD;
	[sflag:s23] =	ssyncadd.s32 $0xFFFFE000  }
0x1f: {  	_ =	swait.ge [sflag:s24], $0x2000  }
0x20: {  	[sflag:s24] =	ssyncset.done $0x0  }
0x21: {  	s25 =	simm.s32 $0xE;
	[sflag:s24] =	ssyncadd.s32 $0xFFFFE000  }
0x22: {  	_ =	swait.ge [sflag:s25], $0x2000  }
0x23: {  	[sflag:s25] =	ssyncset.done $0x0  }
0x24: {  	[sflag:s25] =	ssyncadd.s32 $0xFFFFE000  }
0x25: {  	_ =	swait.ge [sflag:s4], $0x2000  }
0x26: {  	[sflag:s4] =	ssyncset.done $0x0  }
0x27: {  	s12 =	simm.s32 $0x10;
	[sflag:s4] =	ssyncadd.s32 $0xFFFFE000  }
0x28: {  	_ =	swait.ge [sflag:s12], $0x2000  }
0x29: {  	s16 =	rddreg [dreg:$0x6]  }
0x2a: {  	s26 =	rddreg [dreg:$0x5];
	s16 =	sadd.s32 $0x1, s16  }
0x2b: {  	p0 =	sne.s32 s16, s26  }
.Ltmp1:
0x2c: {  	_ = 	snop;
	(pc) =	sbr.rel @!p0 .LBB2_21-.Ltmp1, $3  }
0x2d: {  	_ =	sdelay $0x1  }
0x2e: {  	[sflag:s12] =	ssyncset.done $0x0  }
0x2f: {  	[sflag:s12] =	ssyncadd.s32 $0xFFFFE000  }
.LBB2_1:
0x30: {  	[dreg:$0x6] =	wrdreg s16  }
0x31: {  	s9 =	rddreg [dreg:$0x4];
	s12 =	simm.s32 $0x80;
	s20 =	simm.s32 $0x11  }
0x32: {  	[tilespmem:s3], [sflag:$0x11] =	stream.strided.gather [hbm4b:s9+s12], $0x200, s11, s12, $0x38;
	[tilespmem:$0x10200] =	vst v63  }
0x33: {  	_ =	swait.ge [sflag:s20], $0x200  }
0x34: {  	[sflag:s20] =	ssyncset.done $0x0  }
0x35: {  	[sflag:s20] =	ssyncadd.s32 $0xFFFFFE00  }
0x36: {  	v2 =	vld.msk [tilespmem:$0x0], $0xff;
	_ =	sdelay $0x4  }
0x37: {  	v3 =	vshll.u32 v2, $0x3  }
0x38: {  	v2 =	vand.u32 $0x7, v2;
	v3 =	vand.u32 $0xFFFFFFC0, v3  }
0x39: {  	v2 =	vor.u32 v2, v3  }
0x3a: {  	v2 =	vperm.xlane v2, v0;
	_ =	sdelay $0x1  }
0x3b: {  	v2 =	vadd.s32 v1, v2;
	_ =	sdelay $0x4  }
0x3c: {  	[tilespmem:s11], [sflag:$0x1] =	stream.indirect_vreg.gather [hbm4b:s2+s3], $0x80, v2, vm0, $0xb8;
	[tilespmem:$0x10200] =	vst v63  }
0x3d: {  	s23 =	simm.s32 $0xA00  }
0x3e: {  	[tilespmem:s23], [sflag:$0x1] =	stream.indirect_vreg.gather [hbm4b:s5+s3], $0x80, v2, vm0, $0xb8;
	[tilespmem:$0x10200] =	vst v63  }
0x3f: {  	s24 =	simm.s32 $0x1200  }
0x40: {  	[tilespmem:s24], [sflag:$0x1] =	stream.indirect_vreg.gather [hbm4b:s6+s3], $0x80, v2, vm0, $0xb8;
	[tilespmem:$0x10200] =	vst v63  }
0x41: {  	s25 =	simm.s32 $0x1A00  }
0x42: {  	[tilespmem:s25], [sflag:$0x1] =	stream.indirect_vreg.gather [hbm4b:s7+s3], $0x80, v2, vm0, $0xb8;
	[tilespmem:$0x10200] =	vst v63  }
0x43: {  	v2 =	vld.msk [tilespmem:$0x8], $0xff;
	_ =	sdelay $0x4  }
0x44: {  	v3 =	vshll.u32 v2, $0x3  }
0x45: {  	v2 =	vand.u32 $0x7, v2;
	v3 =	vand.u32 $0xFFFFFFC0, v3  }
0x46: {  	v2 =	vor.u32 v2, v3  }
0x47: {  	v2 =	vperm.xlane v2, v0;
	_ =	sdelay $0x1  }
0x48: {  	v2 =	vadd.s32 v1, v2;
	_ =	sdelay $0x3  }
0x49: {  	s26 =	simm.s32 $0x2200  }
0x4a: {  	[tilespmem:s26], [sflag:$0x2] =	stream.indirect_vreg.gather [hbm4b:s2+s3], $0x80, v2, vm0, $0xb8;
	[tilespmem:$0x10200] =	vst v63  }
0x4b: {  	s12 =	simm.s32 $0x2A00  }
0x4c: {  	[tilespmem:s12], [sflag:$0x2] =	stream.indirect_vreg.gather [hbm4b:s5+s3], $0x80, v2, vm0, $0xb8;
	[tilespmem:$0x10200] =	vst v63  }
0x4d: {  	s16 =	simm.s32 $0x3200  }
0x4e: {  	[tilespmem:s16], [sflag:$0x2] =	stream.indirect_vreg.gather [hbm4b:s6+s3], $0x80, v2, vm0, $0xb8;
	[tilespmem:$0x10200] =	vst v63  }
0x4f: {  	s17 =	simm.s32 $0x3A00  }
0x50: {  	[tilespmem:s17], [sflag:$0x2] =	stream.indirect_vreg.gather [hbm4b:s7+s3], $0x80, v2, vm0, $0xb8;
	[tilespmem:$0x10200] =	vst v63  }
0x51: {  	v2 =	vld.msk [tilespmem:$0x10], $0xff;
	_ =	sdelay $0x4  }
0x52: {  	v3 =	vshll.u32 v2, $0x3  }
0x53: {  	v2 =	vand.u32 $0x7, v2;
	v3 =	vand.u32 $0xFFFFFFC0, v3  }
0x54: {  	v2 =	vor.u32 v2, v3  }
0x55: {  	v2 =	vperm.xlane v2, v0;
	_ =	sdelay $0x1  }
0x56: {  	v2 =	vadd.s32 v1, v2;
	_ =	sdelay $0x3  }
0x57: {  	s18 =	simm.s32 $0x4200  }
0x58: {  	[tilespmem:s18], [sflag:$0x3] =	stream.indirect_vreg.gather [hbm4b:s2+s3], $0x80, v2, vm0, $0xb8;
	[tilespmem:$0x10200] =	vst v63  }
0x59: {  	s19 =	simm.s32 $0x4A00  }
0x5a: {  	[tilespmem:s19], [sflag:$0x3] =	stream.indirect_vreg.gather [hbm4b:s5+s3], $0x80, v2, vm0, $0xb8;
	[tilespmem:$0x10200] =	vst v63  }
0x5b: {  	s20 =	simm.s32 $0x5200  }
0x5c: {  	[tilespmem:s20], [sflag:$0x3] =	stream.indirect_vreg.gather [hbm4b:s6+s3], $0x80, v2, vm0, $0xb8;
	[tilespmem:$0x10200] =	vst v63  }
0x5d: {  	s23 =	simm.s32 $0x5A00  }
0x5e: {  	[tilespmem:s23], [sflag:$0x3] =	stream.indirect_vreg.gather [hbm4b:s7+s3], $0x80, v2, vm0, $0xb8;
	[tilespmem:$0x10200] =	vst v63  }
0x5f: {  	v2 =	vld.msk [tilespmem:$0x18], $0xff;
	_ =	sdelay $0x4  }
0x60: {  	v3 =	vshll.u32 v2, $0x3  }
0x61: {  	v2 =	vand.u32 $0x7, v2;
	v3 =	vand.u32 $0xFFFFFFC0, v3  }
0x62: {  	v2 =	vor.u32 v2, v3  }
0x63: {  	v2 =	vperm.xlane v2, v0;
	_ =	sdelay $0x1  }
0x64: {  	v2 =	vadd.s32 v1, v2;
	_ =	sdelay $0x3  }
0x65: {  	s24 =	simm.s32 $0x6200  }
0x66: {  	[tilespmem:s24], [sflag:$0x4] =	stream.indirect_vreg.gather [hbm4b:s2+s3], $0x80, v2, vm0, $0xb8;
	[tilespmem:$0x10200] =	vst v63  }
0x67: {  	s25 =	simm.s32 $0x6A00  }
0x68: {  	[tilespmem:s25], [sflag:$0x4] =	stream.indirect_vreg.gather [hbm4b:s5+s3], $0x80, v2, vm0, $0xb8;
	[tilespmem:$0x10200] =	vst v63  }
0x69: {  	s26 =	simm.s32 $0x7200  }
0x6a: {  	[tilespmem:s26], [sflag:$0x4] =	stream.indirect_vreg.gather [hbm4b:s6+s3], $0x80, v2, vm0, $0xb8;
	[tilespmem:$0x10200] =	vst v63  }
0x6b: {  	s12 =	simm.s32 $0x7A00  }
0x6c: {  	[tilespmem:s12], [sflag:$0x4] =	stream.indirect_vreg.gather [hbm4b:s7+s3], $0x80, v2, vm0, $0xb8;
	[tilespmem:$0x10200] =	vst v63  }
0x6d: {  	v2 =	vld.msk [tilespmem:$0x20], $0xff;
	_ =	sdelay $0x4  }
0x6e: {  	v3 =	vshll.u32 v2, $0x3  }
0x6f: {  	v2 =	vand.u32 $0x7, v2;
	v3 =	vand.u32 $0xFFFFFFC0, v3  }
0x70: {  	v2 =	vor.u32 v2, v3  }
0x71: {  	v2 =	vperm.xlane v2, v0;
	_ =	sdelay $0x1  }
0x72: {  	v2 =	vadd.s32 v1, v2;
	_ =	sdelay $0x4  }
0x73: {  	[tilespmem:s29], [sflag:$0x5] =	stream.indirect_vreg.gather [hbm4b:s2+s3], $0x80, v2, vm0, $0xb8;
	[tilespmem:$0x10200] =	vst v63  }
0x74: {  	s16 =	simm.s32 $0x8A00  }
0x75: {  	[tilespmem:s16], [sflag:$0x5] =	stream.indirect_vreg.gather [hbm4b:s5+s3], $0x80, v2, vm0, $0xb8;
	[tilespmem:$0x10200] =	vst v63  }
0x76: {  	s17 =	simm.s32 $0x9200  }
0x77: {  	[tilespmem:s17], [sflag:$0x5] =	stream.indirect_vreg.gather [hbm4b:s6+s3], $0x80, v2, vm0, $0xb8;
	[tilespmem:$0x10200] =	vst v63  }
0x78: {  	s18 =	simm.s32 $0x9A00  }
0x79: {  	[tilespmem:s18], [sflag:$0x5] =	stream.indirect_vreg.gather [hbm4b:s7+s3], $0x80, v2, vm0, $0xb8;
	[tilespmem:$0x10200] =	vst v63  }
0x7a: {  	v2 =	vld.msk [tilespmem:$0x28], $0xff;
	_ =	sdelay $0x4  }
0x7b: {  	v3 =	vshll.u32 v2, $0x3  }
0x7c: {  	v2 =	vand.u32 $0x7, v2;
	v3 =	vand.u32 $0xFFFFFFC0, v3  }
0x7d: {  	v2 =	vor.u32 v2, v3  }
0x7e: {  	v2 =	vperm.xlane v2, v0;
	_ =	sdelay $0x1  }
0x7f: {  	v2 =	vadd.s32 v1, v2;
	_ =	sdelay $0x4  }
0x80: {  	[tilespmem:s1], [sflag:$0x6] =	stream.indirect_vreg.gather [hbm4b:s2+s3], $0x80, v2, vm0, $0xb8;
	[tilespmem:$0x10200] =	vst v63  }
0x81: {  	s19 =	simm.s32 $0xAA00  }
0x82: {  	[tilespmem:s19], [sflag:$0x6] =	stream.indirect_vreg.gather [hbm4b:s5+s3], $0x80, v2, vm0, $0xb8;
	[tilespmem:$0x10200] =	vst v63  }
0x83: {  	s20 =	simm.s32 $0xB200  }
0x84: {  	[tilespmem:s20], [sflag:$0x6] =	stream.indirect_vreg.gather [hbm4b:s6+s3], $0x80, v2, vm0, $0xb8;
	[tilespmem:$0x10200] =	vst v63  }
0x85: {  	s23 =	simm.s32 $0xBA00  }
0x86: {  	[tilespmem:s23], [sflag:$0x6] =	stream.indirect_vreg.gather [hbm4b:s7+s3], $0x80, v2, vm0, $0xb8;
	[tilespmem:$0x10200] =	vst v63  }
0x87: {  	v2 =	vld.msk [tilespmem:$0x30], $0xff;
	_ =	sdelay $0x4  }
0x88: {  	v3 =	vshll.u32 v2, $0x3  }
0x89: {  	v2 =	vand.u32 $0x7, v2;
	v3 =	vand.u32 $0xFFFFFFC0, v3  }
0x8a: {  	v2 =	vor.u32 v2, v3  }
0x8b: {  	v2 =	vperm.xlane v2, v0;
	_ =	sdelay $0x1  }
0x8c: {  	v2 =	vadd.s32 v1, v2;
	_ =	sdelay $0x4  }
0x8d: {  	[tilespmem:s15], [sflag:$0x7] =	stream.indirect_vreg.gather [hbm4b:s2+s3], $0x80, v2, vm0, $0xb8;
	[tilespmem:$0x10200] =	vst v63  }
0x8e: {  	s24 =	simm.s32 $0xCA00  }
0x8f: {  	[tilespmem:s24], [sflag:$0x7] =	stream.indirect_vreg.gather [hbm4b:s5+s3], $0x80, v2, vm0, $0xb8;
	[tilespmem:$0x10200] =	vst v63  }
0x90: {  	s25 =	simm.s32 $0xD200  }
0x91: {  	[tilespmem:s25], [sflag:$0x7] =	stream.indirect_vreg.gather [hbm4b:s6+s3], $0x80, v2, vm0, $0xb8;
	[tilespmem:$0x10200] =	vst v63  }
0x92: {  	s9 =	simm.s32 $0x0;
	s26 =	simm.s32 $0xDA00  }
0x93: {  	[tilespmem:s26], [sflag:$0x7] =	stream.indirect_vreg.gather [hbm4b:s7+s3], $0x80, v2, vm0, $0xb8;
	[tilespmem:$0x10200] =	vst v63  }
.LBB2_2:
0x94: {  	_ =	swait.ge [sflag:s21], $0x2000;
	s12 =	simm.s32 $0x0  }
0x95: {  	[sflag:s21] =	ssyncset.done $0x0;
	s16 =	sand.u32 $0x1C00, s12;
	s12 =	sand.u32 $0x380, s12  }
0x96: {  	[sflag:s21] =	ssyncadd.s32 $0xFFFFE000;
	s17 =	sor.u32 s12, s16  }
0x97: {  	v2 =	vld [tilespmem:s17+$0x270]  }
0x98: {  	v3 =	vld [tilespmem:s17+$0x200]  }
0x99: {  	v4 =	vld [tilespmem:s17+$0x210]  }
0x9a: {  	v9 =	vld [tilespmem:s17+$0x250]  }
0x9b: {  	v5 =	vld [tilespmem:s17+$0x220]  }
0x9c: {  	s25 =	simm.s32 $0x400;
	s26 =	simm.s32 $0x10;
	v7 =	vld [tilespmem:s17+$0x230];
	v2 =	vmul.f32 $3.200000000e+01, v2  }
0x9d: {  	s12 =	sand.u32 $0x1C00, s25;
	s16 =	sand.u32 $0x380, s26;
	v8 =	vld [tilespmem:s17+$0x240];
	v3 =	vmul.f32 $3.200000000e+01, v3  }
0x9e: {  	s12 =	sor.u32 s16, s12;
	v10 =	vld [tilespmem:s17+$0x260];
	v4 =	vmul.f32 $3.200000000e+01, v4;
	[tilespmem:s17+$0x270] =	vst v2  }
0x9f: {  	v11 =	vld [tilespmem:s12+$0x270];
	v9 =	vmul.f32 $3.200000000e+01, v9;
	[tilespmem:s17+$0x200] =	vst v3  }
0xa0: {  	v6 =	vld [tilespmem:s12+$0x200];
	v2 =	vmul.f32 $3.200000000e+01, v5;
	[tilespmem:s17+$0x210] =	vst v4  }
0xa1: {  	v3 =	vmul.f32 $3.200000000e+01, v7;
	v5 =	vld [tilespmem:s12+$0x210];
	[tilespmem:s17+$0x250] =	vst v9  }
0xa2: {  	v4 =	vmul.f32 $3.200000000e+01, v8;
	[tilespmem:s17+$0x220] =	vst v2;
	v2 =	vld [tilespmem:s12+$0x220]  }
0xa3: {  	v8 =	vmul.f32 $3.200000000e+01, v10;
	[tilespmem:s17+$0x230] =	vst v3;
	v3 =	vld [tilespmem:s12+$0x230]  }
0xa4: {  	s18 =	simm.s32 $0x8;
	s19 =	simm.s32 $0x800;
	s23 =	simm.s32 $0x20;
	v7 =	vmul.f32 $3.200000000e+01, v11;
	[tilespmem:s17+$0x240] =	vst v4;
	v4 =	vld [tilespmem:s12+$0x240]  }
.LBB2_3:
0xa5: {  	s16 =	sand.u32 $0x1C00, s19;
	s25 =	sand.u32 $0x380, s23;
	s18 =	sadd.s32 $0x8, s18;
	v6 =	vmul.f32 $3.200000000e+01, v6;
	v9 =	vld [tilespmem:s12+$0x250];
	[tilespmem:s17+$0x260] =	vst v8  }
0xa6: {  	s17 =	smov.u32 s12;
	p0 =	slt.u32 s18, $0x1F8;
	v5 =	vmul.f32 $3.200000000e+01, v5;
	v8 =	vld [tilespmem:s12+$0x260];
	[tilespmem:s12+$0x270] =	vst v7;
	s12 =	sor.u32 s25, s16  }
0xa7: {  	v7 =	vld [tilespmem:s12+$0x270];
	[tilespmem:s17+$0x200] =	vst v6;
	v2 =	vmul.f32 $3.200000000e+01, v2  }
.Ltmp2:
0xa8: {  	v6 =	vld [tilespmem:s12+$0x200];
	[tilespmem:s17+$0x210] =	vst v5;
	v3 =	vmul.f32 $3.200000000e+01, v3;
	(pc) =	sbr.rel @p0 .LBB2_3-.Ltmp2, $4  }
0xa9: {  	v5 =	vld [tilespmem:s12+$0x210];
	[tilespmem:s17+$0x220] =	vst v2;
	v4 =	vmul.f32 $3.200000000e+01, v4  }
0xaa: {  	v2 =	vld [tilespmem:s12+$0x220];
	[tilespmem:s17+$0x230] =	vst v3;
	v9 =	vmul.f32 $3.200000000e+01, v9  }
0xab: {  	v3 =	vld [tilespmem:s12+$0x230];
	[tilespmem:s17+$0x240] =	vst v4;
	v8 =	vmul.f32 $3.200000000e+01, v8  }
0xac: {  	s19 =	sadd.s32 $0x400, s19;
	s23 =	sadd.s32 $0x10, s23;
	v4 =	vld [tilespmem:s12+$0x240];
	v7 =	vmul.f32 $3.200000000e+01, v7;
	[tilespmem:s17+$0x250] =	vst v9  }
0xad: {  	v6 =	vmul.f32 $3.200000000e+01, v6;
	v9 =	vld [tilespmem:s12+$0x250];
	[tilespmem:s17+$0x260] =	vst v8  }
0xae: {  	v8 =	vld [tilespmem:s12+$0x260];
	v5 =	vmul.f32 $3.200000000e+01, v5;
	[tilespmem:s12+$0x270] =	vst v7  }
0xaf: {  	[tilespmem:s12+$0x200] =	vst v6;
	v2 =	vmul.f32 $3.200000000e+01, v2  }
0xb0: {  	[tilespmem:s12+$0x210] =	vst v5;
	v3 =	vmul.f32 $3.200000000e+01, v3  }
0xb1: {  	[tilespmem:s12+$0x220] =	vst v2;
	v2 =	vmul.f32 $3.200000000e+01, v4  }
0xb2: {  	[tilespmem:s12+$0x230] =	vst v3;
	v3 =	vmul.f32 $3.200000000e+01, v9  }
0xb3: {  	[tilespmem:s12+$0x240] =	vst v2;
	v2 =	vmul.f32 $3.200000000e+01, v8  }
0xb4: {  	s16 =	sshll.u32 s9, $0xD;
	p0 =	seq.s32 s9, $0x0;
	[tilespmem:s12+$0x250] =	vst v3  }
0xb5: {  	s17 =	sadd.s32 s16, s8;
	s16 =	simm.s32 @!p0 $0x10;
	[tilespmem:s12+$0x260] =	vst v2  }
0xb6: {  	[hbm4b:s17+s3] =	stream.linear.scatter [tilespmem:s11], [sflag:$0x9], $0x2000, $0x38;
	[tilespmem:$0x10200] =	vst v63  }
0xb7: {  	s12 =	sshllo.u32 s9, $0x3;
	_ =	swait.ge @!p0 [sflag:s16], $0x2000  }
0xb8: {  	s18 =	sshll.u32 s12, $0x3;
	[sflag:s16] =	ssyncset.done @!p0 $0x0  }
0xb9: {  	s25 =	sand.u32 $0x3FFFFFF8, s18;
	[sflag:s16] =	ssyncadd.s32 @!p0 $0xFFFFE000  }
0xba: {  	v2 =	vld.msk [tilespmem:s25+$0x0], $0xff;
	_ =	sdelay $0x4  }
0xbb: {  	v3 =	vshll.u32 v2, $0x3  }
0xbc: {  	v2 =	vand.u32 $0x7, v2;
	v3 =	vand.u32 $0xFFFFFFC0, v3  }
0xbd: {  	v2 =	vor.u32 v2, v3  }
0xbe: {  	v2 =	vperm.xlane v2, v0;
	_ =	sdelay $0x1  }
0xbf: {  	v2 =	vadd.s32 v1, v2;
	_ =	sdelay $0x3  }
0xc0: {  	s26 =	simm.s32 $0x0  }
0xc1: {  	[tilespmem:s22], [sflag:$0x8] =	stream.indirect_vreg.gather [hbm4b:s2+s26], $0x80, v2, vm0, $0xb8;
	[tilespmem:$0x10200] =	vst v63  }
0xc2: {  	s19 =	simm.s32 $0xEA00  }
0xc3: {  	[tilespmem:s19], [sflag:$0x8] =	stream.indirect_vreg.gather [hbm4b:s5+s26], $0x80, v2, vm0, $0xb8;
	[tilespmem:$0x10200] =	vst v63  }
0xc4: {  	s20 =	simm.s32 $0xF200  }
0xc5: {  	[tilespmem:s20], [sflag:$0x8] =	stream.indirect_vreg.gather [hbm4b:s6+s26], $0x80, v2, vm0, $0xb8;
	[tilespmem:$0x10200] =	vst v63  }
0xc6: {  	s23 =	simm.s32 $0xFA00  }
0xc7: {  	[tilespmem:s23], [sflag:$0x8] =	stream.indirect_vreg.gather [hbm4b:s7+s26], $0x80, v2, vm0, $0xb8;
	[tilespmem:$0x10200] =	vst v63  }
0xc8: {  	_ =	swait.ge [sflag:s28], $0x2000  }
0xc9: {  	s24 =	sand.u32 $0x1C00, s26;
	s16 =	sand.u32 $0x380, s26;
	[sflag:s28] =	ssyncset.done $0x0  }
0xca: {  	s19 =	sor.u32 s16, s24;
	[sflag:s28] =	ssyncadd.s32 $0xFFFFE000  }
0xcb: {  	v2 =	vld [tilespmem:s19+$0x2270]  }
0xcc: {  	v3 =	vld [tilespmem:s19+$0x2200]  }
0xcd: {  	v4 =	vld [tilespmem:s19+$0x2210]  }
0xce: {  	v9 =	vld [tilespmem:s19+$0x2250]  }
0xcf: {  	v5 =	vld [tilespmem:s19+$0x2220]  }
0xd0: {  	s25 =	simm.s32 $0x400;
	s26 =	simm.s32 $0x10;
	v7 =	vld [tilespmem:s19+$0x2230];
	v2 =	vmul.f32 $3.200000000e+01, v2  }
0xd1: {  	s16 =	sand.u32 $0x1C00, s25;
	s18 =	sand.u32 $0x380, s26;
	v8 =	vld [tilespmem:s19+$0x2240];
	v3 =	vmul.f32 $3.200000000e+01, v3  }
0xd2: {  	s18 =	sor.u32 s18, s16;
	v10 =	vld [tilespmem:s19+$0x2260];
	v4 =	vmul.f32 $3.200000000e+01, v4;
	[tilespmem:s19+$0x2270] =	vst v2  }
0xd3: {  	v11 =	vld [tilespmem:s18+$0x2270];
	v9 =	vmul.f32 $3.200000000e+01, v9;
	[tilespmem:s19+$0x2200] =	vst v3  }
0xd4: {  	v6 =	vld [tilespmem:s18+$0x2200];
	v2 =	vmul.f32 $3.200000000e+01, v5;
	[tilespmem:s19+$0x2210] =	vst v4  }
0xd5: {  	v3 =	vmul.f32 $3.200000000e+01, v7;
	v5 =	vld [tilespmem:s18+$0x2210];
	[tilespmem:s19+$0x2250] =	vst v9  }
0xd6: {  	v4 =	vmul.f32 $3.200000000e+01, v8;
	[tilespmem:s19+$0x2220] =	vst v2;
	v2 =	vld [tilespmem:s18+$0x2220]  }
0xd7: {  	v8 =	vmul.f32 $3.200000000e+01, v10;
	[tilespmem:s19+$0x2230] =	vst v3;
	v3 =	vld [tilespmem:s18+$0x2230]  }
0xd8: {  	s25 =	simm.s32 $0x800;
	s23 =	simm.s32 $0x8;
	s26 =	simm.s32 $0x20;
	v7 =	vmul.f32 $3.200000000e+01, v11;
	[tilespmem:s19+$0x2240] =	vst v4;
	v4 =	vld [tilespmem:s18+$0x2240]  }
.LBB2_5:
0xd9: {  	s16 =	sand.u32 $0x1C00, s25;
	s20 =	sand.u32 $0x380, s26;
	s23 =	sadd.s32 $0x8, s23;
	v6 =	vmul.f32 $3.200000000e+01, v6;
	v9 =	vld [tilespmem:s18+$0x2250];
	[tilespmem:s19+$0x2260] =	vst v8  }
0xda: {  	s19 =	smov.u32 s18;
	p0 =	slt.u32 s23, $0x1F8;
	v5 =	vmul.f32 $3.200000000e+01, v5;
	v8 =	vld [tilespmem:s18+$0x2260];
	[tilespmem:s18+$0x2270] =	vst v7;
	s18 =	sor.u32 s20, s16  }
0xdb: {  	v7 =	vld [tilespmem:s18+$0x2270];
	[tilespmem:s19+$0x2200] =	vst v6;
	v2 =	vmul.f32 $3.200000000e+01, v2  }
.Ltmp3:
0xdc: {  	v6 =	vld [tilespmem:s18+$0x2200];
	[tilespmem:s19+$0x2210] =	vst v5;
	v3 =	vmul.f32 $3.200000000e+01, v3;
	(pc) =	sbr.rel @p0 .LBB2_5-.Ltmp3, $4  }
0xdd: {  	v5 =	vld [tilespmem:s18+$0x2210];
	[tilespmem:s19+$0x2220] =	vst v2;
	v4 =	vmul.f32 $3.200000000e+01, v4  }
0xde: {  	v2 =	vld [tilespmem:s18+$0x2220];
	[tilespmem:s19+$0x2230] =	vst v3;
	v9 =	vmul.f32 $3.200000000e+01, v9  }
0xdf: {  	v3 =	vld [tilespmem:s18+$0x2230];
	[tilespmem:s19+$0x2240] =	vst v4;
	v8 =	vmul.f32 $3.200000000e+01, v8  }
0xe0: {  	s25 =	sadd.s32 $0x400, s25;
	s26 =	sadd.s32 $0x10, s26;
	v4 =	vld [tilespmem:s18+$0x2240];
	v7 =	vmul.f32 $3.200000000e+01, v7;
	[tilespmem:s19+$0x2250] =	vst v9  }
0xe1: {  	v6 =	vmul.f32 $3.200000000e+01, v6;
	v9 =	vld [tilespmem:s18+$0x2250];
	[tilespmem:s19+$0x2260] =	vst v8  }
0xe2: {  	v8 =	vld [tilespmem:s18+$0x2260];
	v5 =	vmul.f32 $3.200000000e+01, v5;
	[tilespmem:s18+$0x2270] =	vst v7  }
0xe3: {  	[tilespmem:s18+$0x2200] =	vst v6;
	v2 =	vmul.f32 $3.200000000e+01, v2  }
0xe4: {  	[tilespmem:s18+$0x2210] =	vst v5;
	v3 =	vmul.f32 $3.200000000e+01, v3  }
0xe5: {  	[tilespmem:s18+$0x2220] =	vst v2;
	v2 =	vmul.f32 $3.200000000e+01, v4  }
0xe6: {  	[tilespmem:s18+$0x2230] =	vst v3;
	v3 =	vmul.f32 $3.200000000e+01, v9  }
0xe7: {  	[tilespmem:s18+$0x2240] =	vst v2;
	v2 =	vmul.f32 $3.200000000e+01, v8  }
0xe8: {  	[tilespmem:s18+$0x2250] =	vst v3  }
0xe9: {  	s16 =	sadd.s32 $0x400, s17;
	s20 =	simm.s32 $0x2200;
	p0 =	seq.s32 s9, $0x7;
	[tilespmem:s18+$0x2260] =	vst v2  }
0xea: {  	[hbm4b:s16+s3] =	stream.linear.scatter [tilespmem:s20], [sflag:$0xA], $0x2000, $0x38;
	[tilespmem:$0x10200] =	vst v63  }
0xeb: {  	s16 =	simm.s32 @!p0 $0x9  }
0xec: {  	_ =	swait.ge @!p0 [sflag:s16], $0x2000  }
0xed: {  	s18 =	sshll.u32 @!p0 s9, $0x6;
	[sflag:s16] =	ssyncset.done @!p0 $0x0  }
0xee: {  	s18 =	sand.u32 @!p0 $0x3FFFFFC0, s18;
	[sflag:s16] =	ssyncadd.s32 @!p0 $0xFFFFE000  }
0xef: {  	v2 =	vld.msk @!p0 [tilespmem:s18+$0x40], $0xff;
	_ =	sdelay $0x4  }
0xf0: {  	v3 =	vshll.u32 @!p0 v2, $0x3  }
0xf1: {  	v4 =	vlaneseq.u32 @!p0;
	v2 =	vand.u32 @!p0 $0x7, v2;
	v3 =	vand.u32 @!p0 $0xFFFFFFC0, v3  }
0xf2: {  	v2 =	vor.u32 @!p0 v2, v3;
	v3 =	vand.u32 @!p0 $0x7, v4;
	v4 =	vshrl.u32 @!p0 v4, $0x3  }
0xf3: {  	v2 =	vperm.xlane @!p0 v2, v3;
	v3 =	vmul.u32 @!p0 $0x8, v4;
	_ =	sdelay $0x1  }
0xf4: {  	v2 =	vadd.s32 @!p0 v3, v2;
	_ =	sdelay $0x3  }
0xf5: {  	vm1 =	vmmov @!p0 $0xffff;
	s19 =	simm.s32 @!p0 $0x200;
	s16 =	simm.s32 @!p0 $0x0  }
0xf6: {  	[tilespmem:s19], [sflag:$0x1] =	stream.indirect_vreg.gather @!p0 [hbm4b:s2+s16], $0x80, v2, vm1, $0xb8;
	[tilespmem:$0x10200] =	vst v63  }
0xf7: {  	s19 =	simm.s32 @!p0 $0xA00  }
0xf8: {  	[tilespmem:s19], [sflag:$0x1] =	stream.indirect_vreg.gather @!p0 [hbm4b:s5+s16], $0x80, v2, vm1, $0xb8;
	[tilespmem:$0x10200] =	vst v63  }
0xf9: {  	s19 =	simm.s32 @!p0 $0x1200  }
0xfa: {  	[tilespmem:s19], [sflag:$0x1] =	stream.indirect_vreg.gather @!p0 [hbm4b:s6+s16], $0x80, v2, vm1, $0xb8;
	[tilespmem:$0x10200] =	vst v63  }
0xfb: {  	s19 =	simm.s32 @!p0 $0x1A00  }
0xfc: {  	[tilespmem:s19], [sflag:$0x1] =	stream.indirect_vreg.gather @!p0 [hbm4b:s7+s16], $0x80, v2, vm1, $0xb8;
	[tilespmem:$0x10200] =	vst v63  }
0xfd: {  	s23 =	simm.s32 $0x0;
	_ =	swait.ge [sflag:s30], $0x2000  }
0xfe: {  	s24 =	sand.u32 $0x1C00, s23;
	s16 =	sand.u32 $0x380, s23;
	[sflag:s30] =	ssyncset.done $0x0  }
0xff: {  	s23 =	sor.u32 s16, s24;
	[sflag:s30] =	ssyncadd.s32 $0xFFFFE000  }
0x100: {  	v2 =	vld [tilespmem:s23+$0x4270]  }
0x101: {  	v3 =	vld [tilespmem:s23+$0x4200]  }
0x102: {  	v4 =	vld [tilespmem:s23+$0x4210]  }
0x103: {  	v9 =	vld [tilespmem:s23+$0x4250]  }
0x104: {  	v5 =	vld [tilespmem:s23+$0x4220]  }
0x105: {  	s25 =	simm.s32 $0x400;
	s26 =	simm.s32 $0x10;
	v7 =	vld [tilespmem:s23+$0x4230];
	v2 =	vmul.f32 $3.200000000e+01, v2  }
0x106: {  	s19 =	sand.u32 $0x380, s26;
	s16 =	sand.u32 $0x1C00, s25;
	v8 =	vld [tilespmem:s23+$0x4240];
	v3 =	vmul.f32 $3.200000000e+01, v3  }
0x107: {  	s19 =	sor.u32 s19, s16;
	v10 =	vld [tilespmem:s23+$0x4260];
	v4 =	vmul.f32 $3.200000000e+01, v4;
	[tilespmem:s23+$0x4270] =	vst v2  }
0x108: {  	v11 =	vld [tilespmem:s19+$0x4270];
	v9 =	vmul.f32 $3.200000000e+01, v9;
	[tilespmem:s23+$0x4200] =	vst v3  }
0x109: {  	v6 =	vld [tilespmem:s19+$0x4200];
	v2 =	vmul.f32 $3.200000000e+01, v5;
	[tilespmem:s23+$0x4210] =	vst v4  }
0x10a: {  	v3 =	vmul.f32 $3.200000000e+01, v7;
	v5 =	vld [tilespmem:s19+$0x4210];
	[tilespmem:s23+$0x4250] =	vst v9  }
0x10b: {  	v4 =	vmul.f32 $3.200000000e+01, v8;
	[tilespmem:s23+$0x4220] =	vst v2;
	v2 =	vld [tilespmem:s19+$0x4220]  }
0x10c: {  	v8 =	vmul.f32 $3.200000000e+01, v10;
	[tilespmem:s23+$0x4230] =	vst v3;
	v3 =	vld [tilespmem:s19+$0x4230]  }
0x10d: {  	s26 =	simm.s32 $0x800;
	s25 =	simm.s32 $0x8;
	s16 =	simm.s32 $0x20;
	v7 =	vmul.f32 $3.200000000e+01, v11;
	[tilespmem:s23+$0x4240] =	vst v4;
	v4 =	vld [tilespmem:s19+$0x4240]  }
.LBB2_7:
0x10e: {  	s20 =	sand.u32 $0x1C00, s26;
	s24 =	sand.u32 $0x380, s16;
	s25 =	sadd.s32 $0x8, s25;
	v6 =	vmul.f32 $3.200000000e+01, v6;
	v9 =	vld [tilespmem:s19+$0x4250];
	[tilespmem:s23+$0x4260] =	vst v8  }
0x10f: {  	s23 =	smov.u32 s19;
	p1 =	slt.u32 s25, $0x1F8;
	v5 =	vmul.f32 $3.200000000e+01, v5;
	v8 =	vld [tilespmem:s19+$0x4260];
	[tilespmem:s19+$0x4270] =	vst v7;
	s19 =	sor.u32 s24, s20  }
0x110: {  	v7 =	vld [tilespmem:s19+$0x4270];
	[tilespmem:s23+$0x4200] =	vst v6;
	v2 =	vmul.f32 $3.200000000e+01, v2  }
.Ltmp4:
0x111: {  	v6 =	vld [tilespmem:s19+$0x4200];
	[tilespmem:s23+$0x4210] =	vst v5;
	v3 =	vmul.f32 $3.200000000e+01, v3;
	(pc) =	sbr.rel @p1 .LBB2_7-.Ltmp4, $4  }
0x112: {  	v5 =	vld [tilespmem:s19+$0x4210];
	[tilespmem:s23+$0x4220] =	vst v2;
	v4 =	vmul.f32 $3.200000000e+01, v4  }
0x113: {  	v2 =	vld [tilespmem:s19+$0x4220];
	[tilespmem:s23+$0x4230] =	vst v3;
	v9 =	vmul.f32 $3.200000000e+01, v9  }
0x114: {  	v3 =	vld [tilespmem:s19+$0x4230];
	[tilespmem:s23+$0x4240] =	vst v4;
	v8 =	vmul.f32 $3.200000000e+01, v8  }
0x115: {  	s26 =	sadd.s32 $0x400, s26;
	s16 =	sadd.s32 $0x10, s16;
	v4 =	vld [tilespmem:s19+$0x4240];
	v7 =	vmul.f32 $3.200000000e+01, v7;
	[tilespmem:s23+$0x4250] =	vst v9  }
0x116: {  	v6 =	vmul.f32 $3.200000000e+01, v6;
	v9 =	vld [tilespmem:s19+$0x4250];
	[tilespmem:s23+$0x4260] =	vst v8  }
0x117: {  	v8 =	vld [tilespmem:s19+$0x4260];
	v5 =	vmul.f32 $3.200000000e+01, v5;
	[tilespmem:s19+$0x4270] =	vst v7  }
0x118: {  	[tilespmem:s19+$0x4200] =	vst v6;
	v2 =	vmul.f32 $3.200000000e+01, v2  }
0x119: {  	[tilespmem:s19+$0x4210] =	vst v5;
	v3 =	vmul.f32 $3.200000000e+01, v3  }
0x11a: {  	[tilespmem:s19+$0x4220] =	vst v2;
	v2 =	vmul.f32 $3.200000000e+01, v4  }
0x11b: {  	[tilespmem:s19+$0x4230] =	vst v3;
	v3 =	vmul.f32 $3.200000000e+01, v9  }
0x11c: {  	[tilespmem:s19+$0x4240] =	vst v2;
	v2 =	vmul.f32 $3.200000000e+01, v8  }
0x11d: {  	[tilespmem:s19+$0x4250] =	vst v3  }
0x11e: {  	s16 =	sadd.s32 $0x800, s17;
	s20 =	simm.s32 $0x4200;
	[tilespmem:s19+$0x4260] =	vst v2  }
0x11f: {  	[hbm4b:s16+s3] =	stream.linear.scatter [tilespmem:s20], [sflag:$0xB], $0x2000, $0x38;
	[tilespmem:$0x10200] =	vst v63  }
0x120: {  	s16 =	simm.s32 @!p0 $0xA  }
0x121: {  	_ =	swait.ge @!p0 [sflag:s16], $0x2000  }
0x122: {  	[sflag:s16] =	ssyncset.done @!p0 $0x0  }
0x123: {  	[sflag:s16] =	ssyncadd.s32 @!p0 $0xFFFFE000  }
0x124: {  	v2 =	vld.msk @!p0 [tilespmem:s18+$0x48], $0xff;
	_ =	sdelay $0x4  }
0x125: {  	v3 =	vshll.u32 @!p0 v2, $0x3  }
0x126: {  	v4 =	vlaneseq.u32 @!p0;
	v2 =	vand.u32 @!p0 $0x7, v2;
	v3 =	vand.u32 @!p0 $0xFFFFFFC0, v3  }
0x127: {  	v2 =	vor.u32 @!p0 v2, v3;
	v3 =	vand.u32 @!p0 $0x7, v4;
	v4 =	vshrl.u32 @!p0 v4, $0x3  }
0x128: {  	v2 =	vperm.xlane @!p0 v2, v3;
	v3 =	vmul.u32 @!p0 $0x8, v4;
	_ =	sdelay $0x1  }
0x129: {  	v2 =	vadd.s32 @!p0 v3, v2;
	_ =	sdelay $0x3  }
0x12a: {  	s19 =	simm.s32 @!p0 $0x2200;
	s16 =	simm.s32 @!p0 $0x0  }
0x12b: {  	[tilespmem:s19], [sflag:$0x2] =	stream.indirect_vreg.gather @!p0 [hbm4b:s2+s16], $0x80, v2, vm1, $0xb8;
	[tilespmem:$0x10200] =	vst v63  }
0x12c: {  	s19 =	simm.s32 @!p0 $0x2A00  }
0x12d: {  	[tilespmem:s19], [sflag:$0x2] =	stream.indirect_vreg.gather @!p0 [hbm4b:s5+s16], $0x80, v2, vm1, $0xb8;
	[tilespmem:$0x10200] =	vst v63  }
0x12e: {  	s19 =	simm.s32 @!p0 $0x3200  }
0x12f: {  	[tilespmem:s19], [sflag:$0x2] =	stream.indirect_vreg.gather @!p0 [hbm4b:s6+s16], $0x80, v2, vm1, $0xb8;
	[tilespmem:$0x10200] =	vst v63  }
0x130: {  	s19 =	simm.s32 @!p0 $0x3A00  }
0x131: {  	[tilespmem:s19], [sflag:$0x2] =	stream.indirect_vreg.gather @!p0 [hbm4b:s7+s16], $0x80, v2, vm1, $0xb8;
	[tilespmem:$0x10200] =	vst v63  }
0x132: {  	s23 =	simm.s32 $0x0;
	_ =	swait.ge [sflag:s31], $0x2000  }
0x133: {  	s24 =	sand.u32 $0x1C00, s23;
	s16 =	sand.u32 $0x380, s23;
	[sflag:s31] =	ssyncset.done $0x0  }
0x134: {  	s23 =	sor.u32 s16, s24;
	[sflag:s31] =	ssyncadd.s32 $0xFFFFE000  }
0x135: {  	v2 =	vld [tilespmem:s23+$0x6270]  }
0x136: {  	v3 =	vld [tilespmem:s23+$0x6200]  }
0x137: {  	v4 =	vld [tilespmem:s23+$0x6210]  }
0x138: {  	v9 =	vld [tilespmem:s23+$0x6250]  }
0x139: {  	v5 =	vld [tilespmem:s23+$0x6220]  }
0x13a: {  	s25 =	simm.s32 $0x400;
	s26 =	simm.s32 $0x10;
	v7 =	vld [tilespmem:s23+$0x6230];
	v2 =	vmul.f32 $3.200000000e+01, v2  }
0x13b: {  	s19 =	sand.u32 $0x380, s26;
	s16 =	sand.u32 $0x1C00, s25;
	v8 =	vld [tilespmem:s23+$0x6240];
	v3 =	vmul.f32 $3.200000000e+01, v3  }
0x13c: {  	s19 =	sor.u32 s19, s16;
	v10 =	vld [tilespmem:s23+$0x6260];
	v4 =	vmul.f32 $3.200000000e+01, v4;
	[tilespmem:s23+$0x6270] =	vst v2  }
0x13d: {  	v11 =	vld [tilespmem:s19+$0x6270];
	v9 =	vmul.f32 $3.200000000e+01, v9;
	[tilespmem:s23+$0x6200] =	vst v3  }
0x13e: {  	v6 =	vld [tilespmem:s19+$0x6200];
	v2 =	vmul.f32 $3.200000000e+01, v5;
	[tilespmem:s23+$0x6210] =	vst v4  }
0x13f: {  	v3 =	vmul.f32 $3.200000000e+01, v7;
	v5 =	vld [tilespmem:s19+$0x6210];
	[tilespmem:s23+$0x6250] =	vst v9  }
0x140: {  	v4 =	vmul.f32 $3.200000000e+01, v8;
	[tilespmem:s23+$0x6220] =	vst v2;
	v2 =	vld [tilespmem:s19+$0x6220]  }
0x141: {  	v8 =	vmul.f32 $3.200000000e+01, v10;
	[tilespmem:s23+$0x6230] =	vst v3;
	v3 =	vld [tilespmem:s19+$0x6230]  }
0x142: {  	s26 =	simm.s32 $0x800;
	s25 =	simm.s32 $0x8;
	s16 =	simm.s32 $0x20;
	v7 =	vmul.f32 $3.200000000e+01, v11;
	[tilespmem:s23+$0x6240] =	vst v4;
	v4 =	vld [tilespmem:s19+$0x6240]  }
.LBB2_9:
0x143: {  	s20 =	sand.u32 $0x1C00, s26;
	s24 =	sand.u32 $0x380, s16;
	s25 =	sadd.s32 $0x8, s25;
	v6 =	vmul.f32 $3.200000000e+01, v6;
	v9 =	vld [tilespmem:s19+$0x6250];
	[tilespmem:s23+$0x6260] =	vst v8  }
0x144: {  	s23 =	smov.u32 s19;
	p1 =	slt.u32 s25, $0x1F8;
	v5 =	vmul.f32 $3.200000000e+01, v5;
	v8 =	vld [tilespmem:s19+$0x6260];
	[tilespmem:s19+$0x6270] =	vst v7;
	s19 =	sor.u32 s24, s20  }
0x145: {  	v7 =	vld [tilespmem:s19+$0x6270];
	[tilespmem:s23+$0x6200] =	vst v6;
	v2 =	vmul.f32 $3.200000000e+01, v2  }
.Ltmp5:
0x146: {  	v6 =	vld [tilespmem:s19+$0x6200];
	[tilespmem:s23+$0x6210] =	vst v5;
	v3 =	vmul.f32 $3.200000000e+01, v3;
	(pc) =	sbr.rel @p1 .LBB2_9-.Ltmp5, $4  }
0x147: {  	v5 =	vld [tilespmem:s19+$0x6210];
	[tilespmem:s23+$0x6220] =	vst v2;
	v4 =	vmul.f32 $3.200000000e+01, v4  }
0x148: {  	v2 =	vld [tilespmem:s19+$0x6220];
	[tilespmem:s23+$0x6230] =	vst v3;
	v9 =	vmul.f32 $3.200000000e+01, v9  }
0x149: {  	v3 =	vld [tilespmem:s19+$0x6230];
	[tilespmem:s23+$0x6240] =	vst v4;
	v8 =	vmul.f32 $3.200000000e+01, v8  }
0x14a: {  	s26 =	sadd.s32 $0x400, s26;
	s16 =	sadd.s32 $0x10, s16;
	v4 =	vld [tilespmem:s19+$0x6240];
	v7 =	vmul.f32 $3.200000000e+01, v7;
	[tilespmem:s23+$0x6250] =	vst v9  }
0x14b: {  	v6 =	vmul.f32 $3.200000000e+01, v6;
	v9 =	vld [tilespmem:s19+$0x6250];
	[tilespmem:s23+$0x6260] =	vst v8  }
0x14c: {  	v8 =	vld [tilespmem:s19+$0x6260];
	v5 =	vmul.f32 $3.200000000e+01, v5;
	[tilespmem:s19+$0x6270] =	vst v7  }
0x14d: {  	[tilespmem:s19+$0x6200] =	vst v6;
	v2 =	vmul.f32 $3.200000000e+01, v2  }
0x14e: {  	[tilespmem:s19+$0x6210] =	vst v5;
	v3 =	vmul.f32 $3.200000000e+01, v3  }
0x14f: {  	[tilespmem:s19+$0x6220] =	vst v2;
	v2 =	vmul.f32 $3.200000000e+01, v4  }
0x150: {  	[tilespmem:s19+$0x6230] =	vst v3;
	v3 =	vmul.f32 $3.200000000e+01, v9  }
0x151: {  	[tilespmem:s19+$0x6240] =	vst v2;
	v2 =	vmul.f32 $3.200000000e+01, v8  }
0x152: {  	[tilespmem:s19+$0x6250] =	vst v3  }
0x153: {  	s16 =	sadd.s32 $0xC00, s17;
	s20 =	simm.s32 $0x6200;
	[tilespmem:s19+$0x6260] =	vst v2  }
0x154: {  	[hbm4b:s16+s3] =	stream.linear.scatter [tilespmem:s20], [sflag:$0xC], $0x2000, $0x38;
	[tilespmem:$0x10200] =	vst v63  }
0x155: {  	s16 =	simm.s32 @!p0 $0xB  }
0x156: {  	_ =	swait.ge @!p0 [sflag:s16], $0x2000  }
0x157: {  	[sflag:s16] =	ssyncset.done @!p0 $0x0  }
0x158: {  	[sflag:s16] =	ssyncadd.s32 @!p0 $0xFFFFE000  }
0x159: {  	v2 =	vld.msk @!p0 [tilespmem:s18+$0x50], $0xff;
	_ =	sdelay $0x4  }
0x15a: {  	v3 =	vshll.u32 @!p0 v2, $0x3  }
0x15b: {  	v4 =	vlaneseq.u32 @!p0;
	v2 =	vand.u32 @!p0 $0x7, v2;
	v3 =	vand.u32 @!p0 $0xFFFFFFC0, v3  }
0x15c: {  	v2 =	vor.u32 @!p0 v2, v3;
	v3 =	vand.u32 @!p0 $0x7, v4;
	v4 =	vshrl.u32 @!p0 v4, $0x3  }
0x15d: {  	v2 =	vperm.xlane @!p0 v2, v3;
	v3 =	vmul.u32 @!p0 $0x8, v4;
	_ =	sdelay $0x1  }
0x15e: {  	v2 =	vadd.s32 @!p0 v3, v2;
	_ =	sdelay $0x3  }
0x15f: {  	s19 =	simm.s32 @!p0 $0x4200;
	s16 =	simm.s32 @!p0 $0x0  }
0x160: {  	[tilespmem:s19], [sflag:$0x3] =	stream.indirect_vreg.gather @!p0 [hbm4b:s2+s16], $0x80, v2, vm1, $0xb8;
	[tilespmem:$0x10200] =	vst v63  }
0x161: {  	s19 =	simm.s32 @!p0 $0x4A00  }
0x162: {  	[tilespmem:s19], [sflag:$0x3] =	stream.indirect_vreg.gather @!p0 [hbm4b:s5+s16], $0x80, v2, vm1, $0xb8;
	[tilespmem:$0x10200] =	vst v63  }
0x163: {  	s19 =	simm.s32 @!p0 $0x5200  }
0x164: {  	[tilespmem:s19], [sflag:$0x3] =	stream.indirect_vreg.gather @!p0 [hbm4b:s6+s16], $0x80, v2, vm1, $0xb8;
	[tilespmem:$0x10200] =	vst v63  }
0x165: {  	s19 =	simm.s32 @!p0 $0x5A00  }
0x166: {  	[tilespmem:s19], [sflag:$0x3] =	stream.indirect_vreg.gather @!p0 [hbm4b:s7+s16], $0x80, v2, vm1, $0xb8;
	[tilespmem:$0x10200] =	vst v63  }
0x167: {  	s23 =	simm.s32 $0x0;
	_ =	swait.ge [sflag:s0], $0x2000  }
0x168: {  	s24 =	sand.u32 $0x1C00, s23;
	s16 =	sand.u32 $0x380, s23;
	[sflag:s0] =	ssyncset.done $0x0  }
0x169: {  	s23 =	sor.u32 s16, s24;
	[sflag:s0] =	ssyncadd.s32 $0xFFFFE000  }
0x16a: {  	v2 =	vld [tilespmem:s23+$0x8270]  }
0x16b: {  	v3 =	vld [tilespmem:s23+$0x8200]  }
0x16c: {  	v4 =	vld [tilespmem:s23+$0x8210]  }
0x16d: {  	v9 =	vld [tilespmem:s23+$0x8250]  }
0x16e: {  	v5 =	vld [tilespmem:s23+$0x8220]  }
0x16f: {  	s25 =	simm.s32 $0x400;
	s26 =	simm.s32 $0x10;
	v7 =	vld [tilespmem:s23+$0x8230];
	v2 =	vmul.f32 $3.200000000e+01, v2  }
0x170: {  	s19 =	sand.u32 $0x380, s26;
	s16 =	sand.u32 $0x1C00, s25;
	v8 =	vld [tilespmem:s23+$0x8240];
	v3 =	vmul.f32 $3.200000000e+01, v3  }
0x171: {  	s19 =	sor.u32 s19, s16;
	v10 =	vld [tilespmem:s23+$0x8260];
	v4 =	vmul.f32 $3.200000000e+01, v4;
	[tilespmem:s23+$0x8270] =	vst v2  }
0x172: {  	v11 =	vld [tilespmem:s19+$0x8270];
	v9 =	vmul.f32 $3.200000000e+01, v9;
	[tilespmem:s23+$0x8200] =	vst v3  }
0x173: {  	v6 =	vld [tilespmem:s19+$0x8200];
	v2 =	vmul.f32 $3.200000000e+01, v5;
	[tilespmem:s23+$0x8210] =	vst v4  }
0x174: {  	v3 =	vmul.f32 $3.200000000e+01, v7;
	v5 =	vld [tilespmem:s19+$0x8210];
	[tilespmem:s23+$0x8250] =	vst v9  }
0x175: {  	v4 =	vmul.f32 $3.200000000e+01, v8;
	[tilespmem:s23+$0x8220] =	vst v2;
	v2 =	vld [tilespmem:s19+$0x8220]  }
0x176: {  	v8 =	vmul.f32 $3.200000000e+01, v10;
	[tilespmem:s23+$0x8230] =	vst v3;
	v3 =	vld [tilespmem:s19+$0x8230]  }
0x177: {  	s26 =	simm.s32 $0x800;
	s25 =	simm.s32 $0x8;
	s16 =	simm.s32 $0x20;
	v7 =	vmul.f32 $3.200000000e+01, v11;
	[tilespmem:s23+$0x8240] =	vst v4;
	v4 =	vld [tilespmem:s19+$0x8240]  }
.LBB2_11:
0x178: {  	s20 =	sand.u32 $0x1C00, s26;
	s24 =	sand.u32 $0x380, s16;
	s25 =	sadd.s32 $0x8, s25;
	v6 =	vmul.f32 $3.200000000e+01, v6;
	v9 =	vld [tilespmem:s19+$0x8250];
	[tilespmem:s23+$0x8260] =	vst v8  }
0x179: {  	s23 =	smov.u32 s19;
	p1 =	slt.u32 s25, $0x1F8;
	v5 =	vmul.f32 $3.200000000e+01, v5;
	v8 =	vld [tilespmem:s19+$0x8260];
	[tilespmem:s19+$0x8270] =	vst v7;
	s19 =	sor.u32 s24, s20  }
0x17a: {  	v7 =	vld [tilespmem:s19+$0x8270];
	[tilespmem:s23+$0x8200] =	vst v6;
	v2 =	vmul.f32 $3.200000000e+01, v2  }
.Ltmp6:
0x17b: {  	v6 =	vld [tilespmem:s19+$0x8200];
	[tilespmem:s23+$0x8210] =	vst v5;
	v3 =	vmul.f32 $3.200000000e+01, v3;
	(pc) =	sbr.rel @p1 .LBB2_11-.Ltmp6, $4  }
0x17c: {  	v5 =	vld [tilespmem:s19+$0x8210];
	[tilespmem:s23+$0x8220] =	vst v2;
	v4 =	vmul.f32 $3.200000000e+01, v4  }
0x17d: {  	v2 =	vld [tilespmem:s19+$0x8220];
	[tilespmem:s23+$0x8230] =	vst v3;
	v9 =	vmul.f32 $3.200000000e+01, v9  }
0x17e: {  	v3 =	vld [tilespmem:s19+$0x8230];
	[tilespmem:s23+$0x8240] =	vst v4;
	v8 =	vmul.f32 $3.200000000e+01, v8  }
0x17f: {  	s26 =	sadd.s32 $0x400, s26;
	s16 =	sadd.s32 $0x10, s16;
	v4 =	vld [tilespmem:s19+$0x8240];
	v7 =	vmul.f32 $3.200000000e+01, v7;
	[tilespmem:s23+$0x8250] =	vst v9  }
0x180: {  	v6 =	vmul.f32 $3.200000000e+01, v6;
	v9 =	vld [tilespmem:s19+$0x8250];
	[tilespmem:s23+$0x8260] =	vst v8  }
0x181: {  	v8 =	vld [tilespmem:s19+$0x8260];
	v5 =	vmul.f32 $3.200000000e+01, v5;
	[tilespmem:s19+$0x8270] =	vst v7  }
0x182: {  	[tilespmem:s19+$0x8200] =	vst v6;
	v2 =	vmul.f32 $3.200000000e+01, v2  }
0x183: {  	[tilespmem:s19+$0x8210] =	vst v5;
	v3 =	vmul.f32 $3.200000000e+01, v3  }
0x184: {  	[tilespmem:s19+$0x8220] =	vst v2;
	v2 =	vmul.f32 $3.200000000e+01, v4  }
0x185: {  	[tilespmem:s19+$0x8230] =	vst v3;
	v3 =	vmul.f32 $3.200000000e+01, v9  }
0x186: {  	[tilespmem:s19+$0x8240] =	vst v2;
	v2 =	vmul.f32 $3.200000000e+01, v8  }
0x187: {  	[tilespmem:s19+$0x8250] =	vst v3  }
0x188: {  	s16 =	sadd.s32 $0x1000, s17;
	[tilespmem:s19+$0x8260] =	vst v2  }
0x189: {  	[hbm4b:s16+s3] =	stream.linear.scatter [tilespmem:s29], [sflag:$0xD], $0x2000, $0x38;
	[tilespmem:$0x10200] =	vst v63  }
0x18a: {  	s16 =	simm.s32 @!p0 $0xC  }
0x18b: {  	_ =	swait.ge @!p0 [sflag:s16], $0x2000  }
0x18c: {  	[sflag:s16] =	ssyncset.done @!p0 $0x0  }
0x18d: {  	[sflag:s16] =	ssyncadd.s32 @!p0 $0xFFFFE000  }
0x18e: {  	v2 =	vld.msk @!p0 [tilespmem:s18+$0x58], $0xff;
	_ =	sdelay $0x4  }
0x18f: {  	v3 =	vshll.u32 @!p0 v2, $0x3  }
0x190: {  	v4 =	vlaneseq.u32 @!p0;
	v2 =	vand.u32 @!p0 $0x7, v2;
	v3 =	vand.u32 @!p0 $0xFFFFFFC0, v3  }
0x191: {  	v2 =	vor.u32 @!p0 v2, v3;
	v3 =	vand.u32 @!p0 $0x7, v4;
	v4 =	vshrl.u32 @!p0 v4, $0x3  }
0x192: {  	v2 =	vperm.xlane @!p0 v2, v3;
	v3 =	vmul.u32 @!p0 $0x8, v4;
	_ =	sdelay $0x1  }
0x193: {  	v2 =	vadd.s32 @!p0 v3, v2;
	_ =	sdelay $0x3  }
0x194: {  	s19 =	simm.s32 @!p0 $0x6200;
	s16 =	simm.s32 @!p0 $0x0  }
0x195: {  	[tilespmem:s19], [sflag:$0x4] =	stream.indirect_vreg.gather @!p0 [hbm4b:s2+s16], $0x80, v2, vm1, $0xb8;
	[tilespmem:$0x10200] =	vst v63  }
0x196: {  	s19 =	simm.s32 @!p0 $0x6A00  }
0x197: {  	[tilespmem:s19], [sflag:$0x4] =	stream.indirect_vreg.gather @!p0 [hbm4b:s5+s16], $0x80, v2, vm1, $0xb8;
	[tilespmem:$0x10200] =	vst v63  }
0x198: {  	s19 =	simm.s32 @!p0 $0x7200  }
0x199: {  	[tilespmem:s19], [sflag:$0x4] =	stream.indirect_vreg.gather @!p0 [hbm4b:s6+s16], $0x80, v2, vm1, $0xb8;
	[tilespmem:$0x10200] =	vst v63  }
0x19a: {  	s19 =	simm.s32 @!p0 $0x7A00  }
0x19b: {  	[tilespmem:s19], [sflag:$0x4] =	stream.indirect_vreg.gather @!p0 [hbm4b:s7+s16], $0x80, v2, vm1, $0xb8;
	[tilespmem:$0x10200] =	vst v63  }
0x19c: {  	s23 =	simm.s32 $0x0;
	_ =	swait.ge [sflag:s10], $0x2000  }
0x19d: {  	s24 =	sand.u32 $0x1C00, s23;
	s16 =	sand.u32 $0x380, s23;
	[sflag:s10] =	ssyncset.done $0x0  }
0x19e: {  	s23 =	sor.u32 s16, s24;
	[sflag:s10] =	ssyncadd.s32 $0xFFFFE000  }
0x19f: {  	v2 =	vld [tilespmem:s23+$0xA270]  }
0x1a0: {  	v3 =	vld [tilespmem:s23+$0xA200]  }
0x1a1: {  	v4 =	vld [tilespmem:s23+$0xA210]  }
0x1a2: {  	v9 =	vld [tilespmem:s23+$0xA250]  }
0x1a3: {  	v5 =	vld [tilespmem:s23+$0xA220]  }
0x1a4: {  	s25 =	simm.s32 $0x400;
	s26 =	simm.s32 $0x10;
	v7 =	vld [tilespmem:s23+$0xA230];
	v2 =	vmul.f32 $3.200000000e+01, v2  }
0x1a5: {  	s19 =	sand.u32 $0x380, s26;
	s16 =	sand.u32 $0x1C00, s25;
	v8 =	vld [tilespmem:s23+$0xA240];
	v3 =	vmul.f32 $3.200000000e+01, v3  }
0x1a6: {  	s19 =	sor.u32 s19, s16;
	v10 =	vld [tilespmem:s23+$0xA260];
	v4 =	vmul.f32 $3.200000000e+01, v4;
	[tilespmem:s23+$0xA270] =	vst v2  }
0x1a7: {  	v11 =	vld [tilespmem:s19+$0xA270];
	v9 =	vmul.f32 $3.200000000e+01, v9;
	[tilespmem:s23+$0xA200] =	vst v3  }
0x1a8: {  	v6 =	vld [tilespmem:s19+$0xA200];
	v2 =	vmul.f32 $3.200000000e+01, v5;
	[tilespmem:s23+$0xA210] =	vst v4  }
0x1a9: {  	v3 =	vmul.f32 $3.200000000e+01, v7;
	v5 =	vld [tilespmem:s19+$0xA210];
	[tilespmem:s23+$0xA250] =	vst v9  }
0x1aa: {  	v4 =	vmul.f32 $3.200000000e+01, v8;
	[tilespmem:s23+$0xA220] =	vst v2;
	v2 =	vld [tilespmem:s19+$0xA220]  }
0x1ab: {  	v8 =	vmul.f32 $3.200000000e+01, v10;
	[tilespmem:s23+$0xA230] =	vst v3;
	v3 =	vld [tilespmem:s19+$0xA230]  }
0x1ac: {  	s26 =	simm.s32 $0x800;
	s25 =	simm.s32 $0x8;
	s16 =	simm.s32 $0x20;
	v7 =	vmul.f32 $3.200000000e+01, v11;
	[tilespmem:s23+$0xA240] =	vst v4;
	v4 =	vld [tilespmem:s19+$0xA240]  }
.LBB2_13:
0x1ad: {  	s20 =	sand.u32 $0x1C00, s26;
	s24 =	sand.u32 $0x380, s16;
	s25 =	sadd.s32 $0x8, s25;
	v6 =	vmul.f32 $3.200000000e+01, v6;
	v9 =	vld [tilespmem:s19+$0xA250];
	[tilespmem:s23+$0xA260] =	vst v8  }
0x1ae: {  	s23 =	smov.u32 s19;
	p1 =	slt.u32 s25, $0x1F8;
	v5 =	vmul.f32 $3.200000000e+01, v5;
	v8 =	vld [tilespmem:s19+$0xA260];
	[tilespmem:s19+$0xA270] =	vst v7;
	s19 =	sor.u32 s24, s20  }
0x1af: {  	v7 =	vld [tilespmem:s19+$0xA270];
	[tilespmem:s23+$0xA200] =	vst v6;
	v2 =	vmul.f32 $3.200000000e+01, v2  }
.Ltmp7:
0x1b0: {  	v6 =	vld [tilespmem:s19+$0xA200];
	[tilespmem:s23+$0xA210] =	vst v5;
	v3 =	vmul.f32 $3.200000000e+01, v3;
	(pc) =	sbr.rel @p1 .LBB2_13-.Ltmp7, $4  }
0x1b1: {  	v5 =	vld [tilespmem:s19+$0xA210];
	[tilespmem:s23+$0xA220] =	vst v2;
	v4 =	vmul.f32 $3.200000000e+01, v4  }
0x1b2: {  	v2 =	vld [tilespmem:s19+$0xA220];
	[tilespmem:s23+$0xA230] =	vst v3;
	v9 =	vmul.f32 $3.200000000e+01, v9  }
0x1b3: {  	v3 =	vld [tilespmem:s19+$0xA230];
	[tilespmem:s23+$0xA240] =	vst v4;
	v8 =	vmul.f32 $3.200000000e+01, v8  }
0x1b4: {  	s26 =	sadd.s32 $0x400, s26;
	s16 =	sadd.s32 $0x10, s16;
	v4 =	vld [tilespmem:s19+$0xA240];
	v7 =	vmul.f32 $3.200000000e+01, v7;
	[tilespmem:s23+$0xA250] =	vst v9  }
0x1b5: {  	v6 =	vmul.f32 $3.200000000e+01, v6;
	v9 =	vld [tilespmem:s19+$0xA250];
	[tilespmem:s23+$0xA260] =	vst v8  }
0x1b6: {  	v8 =	vld [tilespmem:s19+$0xA260];
	v5 =	vmul.f32 $3.200000000e+01, v5;
	[tilespmem:s19+$0xA270] =	vst v7  }
0x1b7: {  	[tilespmem:s19+$0xA200] =	vst v6;
	v2 =	vmul.f32 $3.200000000e+01, v2  }
0x1b8: {  	[tilespmem:s19+$0xA210] =	vst v5;
	v3 =	vmul.f32 $3.200000000e+01, v3  }
0x1b9: {  	[tilespmem:s19+$0xA220] =	vst v2;
	v2 =	vmul.f32 $3.200000000e+01, v4  }
0x1ba: {  	[tilespmem:s19+$0xA230] =	vst v3;
	v3 =	vmul.f32 $3.200000000e+01, v9  }
0x1bb: {  	[tilespmem:s19+$0xA240] =	vst v2;
	v2 =	vmul.f32 $3.200000000e+01, v8  }
0x1bc: {  	[tilespmem:s19+$0xA250] =	vst v3  }
0x1bd: {  	s16 =	sadd.s32 $0x1400, s17;
	[tilespmem:s19+$0xA260] =	vst v2  }
0x1be: {  	[hbm4b:s16+s3] =	stream.linear.scatter [tilespmem:s1], [sflag:$0xE], $0x2000, $0x38;
	[tilespmem:$0x10200] =	vst v63  }
0x1bf: {  	s16 =	simm.s32 @!p0 $0xD  }
0x1c0: {  	_ =	swait.ge @!p0 [sflag:s16], $0x2000  }
0x1c1: {  	[sflag:s16] =	ssyncset.done @!p0 $0x0  }
0x1c2: {  	[sflag:s16] =	ssyncadd.s32 @!p0 $0xFFFFE000  }
0x1c3: {  	v2 =	vld.msk @!p0 [tilespmem:s18+$0x60], $0xff;
	_ =	sdelay $0x4  }
0x1c4: {  	v3 =	vshll.u32 @!p0 v2, $0x3  }
0x1c5: {  	v4 =	vlaneseq.u32 @!p0;
	v2 =	vand.u32 @!p0 $0x7, v2;
	v3 =	vand.u32 @!p0 $0xFFFFFFC0, v3  }
0x1c6: {  	v2 =	vor.u32 @!p0 v2, v3;
	v3 =	vand.u32 @!p0 $0x7, v4;
	v4 =	vshrl.u32 @!p0 v4, $0x3  }
0x1c7: {  	v2 =	vperm.xlane @!p0 v2, v3;
	v3 =	vmul.u32 @!p0 $0x8, v4;
	_ =	sdelay $0x1  }
0x1c8: {  	v2 =	vadd.s32 @!p0 v3, v2;
	_ =	sdelay $0x3  }
0x1c9: {  	s19 =	simm.s32 @!p0 $0x8200;
	s16 =	simm.s32 @!p0 $0x0  }
0x1ca: {  	[tilespmem:s19], [sflag:$0x5] =	stream.indirect_vreg.gather @!p0 [hbm4b:s2+s16], $0x80, v2, vm1, $0xb8;
	[tilespmem:$0x10200] =	vst v63  }
0x1cb: {  	s19 =	simm.s32 @!p0 $0x8A00  }
0x1cc: {  	[tilespmem:s19], [sflag:$0x5] =	stream.indirect_vreg.gather @!p0 [hbm4b:s5+s16], $0x80, v2, vm1, $0xb8;
	[tilespmem:$0x10200] =	vst v63  }
0x1cd: {  	s19 =	simm.s32 @!p0 $0x9200  }
0x1ce: {  	[tilespmem:s19], [sflag:$0x5] =	stream.indirect_vreg.gather @!p0 [hbm4b:s6+s16], $0x80, v2, vm1, $0xb8;
	[tilespmem:$0x10200] =	vst v63  }
0x1cf: {  	s19 =	simm.s32 @!p0 $0x9A00  }
0x1d0: {  	[tilespmem:s19], [sflag:$0x5] =	stream.indirect_vreg.gather @!p0 [hbm4b:s7+s16], $0x80, v2, vm1, $0xb8;
	[tilespmem:$0x10200] =	vst v63  }
0x1d1: {  	s23 =	simm.s32 $0x0;
	_ =	swait.ge [sflag:s13], $0x2000  }
0x1d2: {  	s24 =	sand.u32 $0x1C00, s23;
	s16 =	sand.u32 $0x380, s23;
	[sflag:s13] =	ssyncset.done $0x0  }
0x1d3: {  	s23 =	sor.u32 s16, s24;
	[sflag:s13] =	ssyncadd.s32 $0xFFFFE000  }
0x1d4: {  	v2 =	vld [tilespmem:s23+$0xC270]  }
0x1d5: {  	v3 =	vld [tilespmem:s23+$0xC200]  }
0x1d6: {  	v4 =	vld [tilespmem:s23+$0xC210]  }
0x1d7: {  	v9 =	vld [tilespmem:s23+$0xC250]  }
0x1d8: {  	v5 =	vld [tilespmem:s23+$0xC220]  }
0x1d9: {  	s25 =	simm.s32 $0x400;
	s26 =	simm.s32 $0x10;
	v7 =	vld [tilespmem:s23+$0xC230];
	v2 =	vmul.f32 $3.200000000e+01, v2  }
0x1da: {  	s19 =	sand.u32 $0x380, s26;
	s16 =	sand.u32 $0x1C00, s25;
	v8 =	vld [tilespmem:s23+$0xC240];
	v3 =	vmul.f32 $3.200000000e+01, v3  }
0x1db: {  	s19 =	sor.u32 s19, s16;
	v10 =	vld [tilespmem:s23+$0xC260];
	v4 =	vmul.f32 $3.200000000e+01, v4;
	[tilespmem:s23+$0xC270] =	vst v2  }
0x1dc: {  	v11 =	vld [tilespmem:s19+$0xC270];
	v9 =	vmul.f32 $3.200000000e+01, v9;
	[tilespmem:s23+$0xC200] =	vst v3  }
0x1dd: {  	v6 =	vld [tilespmem:s19+$0xC200];
	v2 =	vmul.f32 $3.200000000e+01, v5;
	[tilespmem:s23+$0xC210] =	vst v4  }
0x1de: {  	v3 =	vmul.f32 $3.200000000e+01, v7;
	v5 =	vld [tilespmem:s19+$0xC210];
	[tilespmem:s23+$0xC250] =	vst v9  }
0x1df: {  	v4 =	vmul.f32 $3.200000000e+01, v8;
	[tilespmem:s23+$0xC220] =	vst v2;
	v2 =	vld [tilespmem:s19+$0xC220]  }
0x1e0: {  	v8 =	vmul.f32 $3.200000000e+01, v10;
	[tilespmem:s23+$0xC230] =	vst v3;
	v3 =	vld [tilespmem:s19+$0xC230]  }
0x1e1: {  	s26 =	simm.s32 $0x800;
	s25 =	simm.s32 $0x8;
	s16 =	simm.s32 $0x20;
	v7 =	vmul.f32 $3.200000000e+01, v11;
	[tilespmem:s23+$0xC240] =	vst v4;
	v4 =	vld [tilespmem:s19+$0xC240]  }
.LBB2_15:
0x1e2: {  	s20 =	sand.u32 $0x1C00, s26;
	s24 =	sand.u32 $0x380, s16;
	s25 =	sadd.s32 $0x8, s25;
	v6 =	vmul.f32 $3.200000000e+01, v6;
	v9 =	vld [tilespmem:s19+$0xC250];
	[tilespmem:s23+$0xC260] =	vst v8  }
0x1e3: {  	s23 =	smov.u32 s19;
	p1 =	slt.u32 s25, $0x1F8;
	v5 =	vmul.f32 $3.200000000e+01, v5;
	v8 =	vld [tilespmem:s19+$0xC260];
	[tilespmem:s19+$0xC270] =	vst v7;
	s19 =	sor.u32 s24, s20  }
0x1e4: {  	v7 =	vld [tilespmem:s19+$0xC270];
	[tilespmem:s23+$0xC200] =	vst v6;
	v2 =	vmul.f32 $3.200000000e+01, v2  }
.Ltmp8:
0x1e5: {  	v6 =	vld [tilespmem:s19+$0xC200];
	[tilespmem:s23+$0xC210] =	vst v5;
	v3 =	vmul.f32 $3.200000000e+01, v3;
	(pc) =	sbr.rel @p1 .LBB2_15-.Ltmp8, $4  }
0x1e6: {  	v5 =	vld [tilespmem:s19+$0xC210];
	[tilespmem:s23+$0xC220] =	vst v2;
	v4 =	vmul.f32 $3.200000000e+01, v4  }
0x1e7: {  	v2 =	vld [tilespmem:s19+$0xC220];
	[tilespmem:s23+$0xC230] =	vst v3;
	v9 =	vmul.f32 $3.200000000e+01, v9  }
0x1e8: {  	v3 =	vld [tilespmem:s19+$0xC230];
	[tilespmem:s23+$0xC240] =	vst v4;
	v8 =	vmul.f32 $3.200000000e+01, v8  }
0x1e9: {  	s26 =	sadd.s32 $0x400, s26;
	s16 =	sadd.s32 $0x10, s16;
	v4 =	vld [tilespmem:s19+$0xC240];
	v7 =	vmul.f32 $3.200000000e+01, v7;
	[tilespmem:s23+$0xC250] =	vst v9  }
0x1ea: {  	v6 =	vmul.f32 $3.200000000e+01, v6;
	v9 =	vld [tilespmem:s19+$0xC250];
	[tilespmem:s23+$0xC260] =	vst v8  }
0x1eb: {  	v8 =	vld [tilespmem:s19+$0xC260];
	v5 =	vmul.f32 $3.200000000e+01, v5;
	[tilespmem:s19+$0xC270] =	vst v7  }
0x1ec: {  	[tilespmem:s19+$0xC200] =	vst v6;
	v2 =	vmul.f32 $3.200000000e+01, v2  }
0x1ed: {  	[tilespmem:s19+$0xC210] =	vst v5;
	v3 =	vmul.f32 $3.200000000e+01, v3  }
0x1ee: {  	[tilespmem:s19+$0xC220] =	vst v2;
	v2 =	vmul.f32 $3.200000000e+01, v4  }
0x1ef: {  	[tilespmem:s19+$0xC230] =	vst v3;
	v3 =	vmul.f32 $3.200000000e+01, v9  }
0x1f0: {  	[tilespmem:s19+$0xC240] =	vst v2;
	v2 =	vmul.f32 $3.200000000e+01, v8  }
0x1f1: {  	[tilespmem:s19+$0xC250] =	vst v3  }
0x1f2: {  	s16 =	sadd.s32 $0x1800, s17;
	[tilespmem:s19+$0xC260] =	vst v2  }
0x1f3: {  	[hbm4b:s16+s3] =	stream.linear.scatter [tilespmem:s15], [sflag:$0xF], $0x2000, $0x38;
	[tilespmem:$0x10200] =	vst v63  }
0x1f4: {  	s16 =	simm.s32 @!p0 $0xE  }
0x1f5: {  	_ =	swait.ge @!p0 [sflag:s16], $0x2000  }
0x1f6: {  	[sflag:s16] =	ssyncset.done @!p0 $0x0  }
0x1f7: {  	[sflag:s16] =	ssyncadd.s32 @!p0 $0xFFFFE000  }
0x1f8: {  	v2 =	vld.msk @!p0 [tilespmem:s18+$0x68], $0xff;
	_ =	sdelay $0x4  }
0x1f9: {  	v3 =	vshll.u32 @!p0 v2, $0x3  }
0x1fa: {  	v4 =	vlaneseq.u32 @!p0;
	v2 =	vand.u32 @!p0 $0x7, v2;
	v3 =	vand.u32 @!p0 $0xFFFFFFC0, v3  }
0x1fb: {  	v2 =	vor.u32 @!p0 v2, v3;
	v3 =	vand.u32 @!p0 $0x7, v4;
	v4 =	vshrl.u32 @!p0 v4, $0x3  }
0x1fc: {  	v2 =	vperm.xlane @!p0 v2, v3;
	v3 =	vmul.u32 @!p0 $0x8, v4;
	_ =	sdelay $0x1  }
0x1fd: {  	v2 =	vadd.s32 @!p0 v3, v2;
	_ =	sdelay $0x3  }
0x1fe: {  	s17 =	simm.s32 @!p0 $0xA200;
	s16 =	simm.s32 @!p0 $0x0  }
0x1ff: {  	[tilespmem:s17], [sflag:$0x6] =	stream.indirect_vreg.gather @!p0 [hbm4b:s2+s16], $0x80, v2, vm1, $0xb8;
	[tilespmem:$0x10200] =	vst v63  }
0x200: {  	s17 =	simm.s32 @!p0 $0xAA00  }
0x201: {  	[tilespmem:s17], [sflag:$0x6] =	stream.indirect_vreg.gather @!p0 [hbm4b:s5+s16], $0x80, v2, vm1, $0xb8;
	[tilespmem:$0x10200] =	vst v63  }
0x202: {  	s17 =	simm.s32 @!p0 $0xB200  }
0x203: {  	[tilespmem:s17], [sflag:$0x6] =	stream.indirect_vreg.gather @!p0 [hbm4b:s6+s16], $0x80, v2, vm1, $0xb8;
	[tilespmem:$0x10200] =	vst v63  }
0x204: {  	s17 =	simm.s32 @!p0 $0xBA00  }
0x205: {  	[tilespmem:s17], [sflag:$0x6] =	stream.indirect_vreg.gather @!p0 [hbm4b:s7+s16], $0x80, v2, vm1, $0xb8;
	[tilespmem:$0x10200] =	vst v63  }
0x206: {  	s23 =	simm.s32 $0x0;
	_ =	swait.ge [sflag:s14], $0x2000  }
0x207: {  	s24 =	sand.u32 $0x1C00, s23;
	s16 =	sand.u32 $0x380, s23;
	[sflag:s14] =	ssyncset.done $0x0  }
0x208: {  	s18 =	sor.u32 s16, s24;
	[sflag:s14] =	ssyncadd.s32 $0xFFFFE000  }
0x209: {  	v2 =	vld [tilespmem:s18+$0xE270]  }
0x20a: {  	v3 =	vld [tilespmem:s18+$0xE200]  }
0x20b: {  	v4 =	vld [tilespmem:s18+$0xE210]  }
0x20c: {  	v9 =	vld [tilespmem:s18+$0xE250]  }
0x20d: {  	v5 =	vld [tilespmem:s18+$0xE220]  }
0x20e: {  	s25 =	simm.s32 $0x400;
	s26 =	simm.s32 $0x10;
	v7 =	vld [tilespmem:s18+$0xE230];
	v2 =	vmul.f32 $3.200000000e+01, v2  }
0x20f: {  	s17 =	sand.u32 $0x380, s26;
	s16 =	sand.u32 $0x1C00, s25;
	v8 =	vld [tilespmem:s18+$0xE240];
	v3 =	vmul.f32 $3.200000000e+01, v3  }
0x210: {  	s17 =	sor.u32 s17, s16;
	v10 =	vld [tilespmem:s18+$0xE260];
	v4 =	vmul.f32 $3.200000000e+01, v4;
	[tilespmem:s18+$0xE270] =	vst v2  }
0x211: {  	v11 =	vld [tilespmem:s17+$0xE270];
	v9 =	vmul.f32 $3.200000000e+01, v9;
	[tilespmem:s18+$0xE200] =	vst v3  }
0x212: {  	v6 =	vld [tilespmem:s17+$0xE200];
	v2 =	vmul.f32 $3.200000000e+01, v5;
	[tilespmem:s18+$0xE210] =	vst v4  }
0x213: {  	v3 =	vmul.f32 $3.200000000e+01, v7;
	v5 =	vld [tilespmem:s17+$0xE210];
	[tilespmem:s18+$0xE250] =	vst v9  }
0x214: {  	v4 =	vmul.f32 $3.200000000e+01, v8;
	[tilespmem:s18+$0xE220] =	vst v2;
	v2 =	vld [tilespmem:s17+$0xE220]  }
0x215: {  	v8 =	vmul.f32 $3.200000000e+01, v10;
	[tilespmem:s18+$0xE230] =	vst v3;
	v3 =	vld [tilespmem:s17+$0xE230]  }
0x216: {  	s19 =	simm.s32 $0x8;
	s23 =	simm.s32 $0x800;
	s16 =	simm.s32 $0x20;
	v7 =	vmul.f32 $3.200000000e+01, v11;
	[tilespmem:s18+$0xE240] =	vst v4;
	v4 =	vld [tilespmem:s17+$0xE240]  }
.LBB2_17:
0x217: {  	s20 =	sand.u32 $0x1C00, s23;
	s24 =	sand.u32 $0x380, s16;
	s19 =	sadd.s32 $0x8, s19;
	v6 =	vmul.f32 $3.200000000e+01, v6;
	v9 =	vld [tilespmem:s17+$0xE250];
	[tilespmem:s18+$0xE260] =	vst v8  }
0x218: {  	s18 =	smov.u32 s17;
	p1 =	slt.u32 s19, $0x1F8;
	v5 =	vmul.f32 $3.200000000e+01, v5;
	v8 =	vld [tilespmem:s17+$0xE260];
	[tilespmem:s17+$0xE270] =	vst v7;
	s17 =	sor.u32 s24, s20  }
0x219: {  	v7 =	vld [tilespmem:s17+$0xE270];
	[tilespmem:s18+$0xE200] =	vst v6;
	v2 =	vmul.f32 $3.200000000e+01, v2  }
.Ltmp9:
0x21a: {  	v6 =	vld [tilespmem:s17+$0xE200];
	[tilespmem:s18+$0xE210] =	vst v5;
	v3 =	vmul.f32 $3.200000000e+01, v3;
	(pc) =	sbr.rel @p1 .LBB2_17-.Ltmp9, $4  }
0x21b: {  	v5 =	vld [tilespmem:s17+$0xE210];
	[tilespmem:s18+$0xE220] =	vst v2;
	v4 =	vmul.f32 $3.200000000e+01, v4  }
0x21c: {  	v2 =	vld [tilespmem:s17+$0xE220];
	[tilespmem:s18+$0xE230] =	vst v3;
	v9 =	vmul.f32 $3.200000000e+01, v9  }
0x21d: {  	v3 =	vld [tilespmem:s17+$0xE230];
	[tilespmem:s18+$0xE240] =	vst v4;
	v8 =	vmul.f32 $3.200000000e+01, v8  }
0x21e: {  	s23 =	sadd.s32 $0x400, s23;
	s16 =	sadd.s32 $0x10, s16;
	v4 =	vld [tilespmem:s17+$0xE240];
	v7 =	vmul.f32 $3.200000000e+01, v7;
	[tilespmem:s18+$0xE250] =	vst v9  }
0x21f: {  	v6 =	vmul.f32 $3.200000000e+01, v6;
	v9 =	vld [tilespmem:s17+$0xE250];
	[tilespmem:s18+$0xE260] =	vst v8  }
0x220: {  	v63 =	vld [tilespmem:s17+$0xE260];
	v5 =	vmul.f32 $3.200000000e+01, v5;
	[tilespmem:s17+$0xE270] =	vst v7  }
0x221: {  	[tilespmem:s17+$0xE200] =	vst v6;
	v2 =	vmul.f32 $3.200000000e+01, v2  }
0x222: {  	[tilespmem:s17+$0xE210] =	vst v5;
	v3 =	vmul.f32 $3.200000000e+01, v3  }
0x223: {  	[tilespmem:s17+$0xE220] =	vst v2;
	v2 =	vmul.f32 $3.200000000e+01, v4  }
.Ltmp10:
0x224: {  	[tilespmem:s17+$0xE230] =	vst v3;
	v3 =	vmul.f32 $3.200000000e+01, v9;
	(pc) =	sbr.rel @p0 .LBB2_20-.Ltmp10, $4  }
0x225: {  	[tilespmem:s17+$0xE240] =	vst v2;
	v2 =	vmul.f32 $3.200000000e+01, v63  }
0x226: {  	s12 =	sshll.u32 s12, $0xA;
	[tilespmem:s17+$0xE250] =	vst v3  }
0x227: {  	s12 =	sadd.s32 s12, s8;
	[tilespmem:s17+$0xE260] =	vst v2  }
0x228: {  	[hbm4b:s12+s3] =	stream.linear.scatter [tilespmem:s22], [sflag:$0x10], $0x2000, $0x38;
	[tilespmem:$0x10200] =	vst v63  }
0x229: {  	_ =	swait.ge [sflag:s4], $0x2000  }
0x22a: {  	s12 =	sshll.u32 s9, $0x6;
	[sflag:s4] =	ssyncset.done $0x0  }
0x22b: {  	s12 =	sand.u32 $0x3FFFFFC0, s12;
	[sflag:s4] =	ssyncadd.s32 $0xFFFFE000  }
0x22c: {  	v2 =	vld.msk [tilespmem:s12+$0x70], $0xff;
	_ =	sdelay $0x4  }
0x22d: {  	v3 =	vshll.u32 v2, $0x3  }
0x22e: {  	v2 =	vand.u32 $0x7, v2;
	v3 =	vand.u32 $0xFFFFFFC0, v3  }
0x22f: {  	v2 =	vor.u32 v2, v3  }
0x230: {  	v2 =	vperm.xlane v2, v0;
	_ =	sdelay $0x1  }
0x231: {  	v2 =	vadd.s32 v1, v2;
	_ =	sdelay $0x4  }
0x232: {  	[tilespmem:s15], [sflag:$0x7] =	stream.indirect_vreg.gather [hbm4b:s2+s3], $0x80, v2, vm0, $0xb8;
	[tilespmem:$0x10200] =	vst v63  }
0x233: {  	s24 =	simm.s32 $0xCA00  }
0x234: {  	[tilespmem:s24], [sflag:$0x7] =	stream.indirect_vreg.gather [hbm4b:s5+s3], $0x80, v2, vm0, $0xb8;
	[tilespmem:$0x10200] =	vst v63  }
.Ltmp11:
0x235: {  	_ = 	snop;
	(pc) =	sbr.rel .LBB2_2-.Ltmp11, $4  }
0x236: {  	s25 =	simm.s32 $0xD200  }
0x237: {  	[tilespmem:s25], [sflag:$0x7] =	stream.indirect_vreg.gather [hbm4b:s6+s3], $0x80, v2, vm0, $0xb8;
	[tilespmem:$0x10200] =	vst v63  }
0x238: {  	s26 =	simm.s32 $0xDA00;
	s9 =	sadd.s32 $0x1, s9  }
0x239: {  	[tilespmem:s26], [sflag:$0x7] =	stream.indirect_vreg.gather [hbm4b:s7+s3], $0x80, v2, vm0, $0xb8;
	[tilespmem:$0x10200] =	vst v63  }
.LBB2_21:
0x23a: {  	_ =	sfence.sel $0x180000  }
0x23b: {  	[bflag:$0x0] =	sbarrier.arrive $0xFFFF  }
0x23c: {  	_ =	strace $0x90000047  }
0x23d: {  	s0 =	stileid.u32;
	[bflag:$0x2] =	sbarrier.arrive $0xFFFF  }
0x23e: {  	p0 =	sne.s32 s0, $0x0;
	s0 =	rddreg [dreg:$0x3]  }
0x23f: {  	s0 =	sadd.s32 @!p0 $0x100000, s0  }
0x240: {  	[sflag:s0] =	ssyncadd.tile.s32 @!p0 $0x1;
	_ =	shalt  }
.Lfunc_end2:
_tile_overlayer_lowered:
.L_overlay_start_2:
0x241: {  	(tag) =	ssettag $0x2  }
0x242: {  	s0 =	rddreg [dreg:$0x0];
	s2 =	stileid.u32  }
0x243: {  	s1 =	rddreg [dreg:$0x1];
	p0 =	sne.s32 s2, $0x0  }
0x244: {  	s3 =	rddreg [dreg:$0x2];
	[bflag:$0x3] =	sbarrier.arrive $0xFFFF;
	s2 =	simm.s32 @!p0 $0x1C11  }
0x245: {  	[timem:s3], [sflag:s2] =	dma.local @!p0 [hbm:s0], s1  }
0x246: {  	s0 =	simm.s32 @!p0 $0x11  }
0x247: {  	_ =	swait.ge @!p0 [sflag:s0], s1  }
0x248: {  	s1 =	ssub.s32 @!p0 $0x0, s1;
	[sflag:s0] =	ssyncset.done @!p0 $0x0  }
0x249: {  	[sflag:s0] =	ssyncadd.s32 @!p0 s1  }
0x24a: {  	[bflag:$0x3] =	sbarrier.arrive $0xFFFF  }
0x24b: {  	_ =	shalt  }

</sc_bundles>
